<compile_context>
chip_gen: v7x
topology: tpu7x:2x2x1
jax: 0.10.2.dev20260603
libtpu: 0.0.44.dev20260713+nightly
codegen_flags: <defaults>
</compile_context>

<pallas_src>
import functools

import jax
import jax.numpy as jnp
from jax import lax
from jax.experimental import pallas as pl
from jax.experimental.pallas import tpu as pltpu
from jax.experimental.pallas import tpu_sc as plsc

_G = 4


def kernel(x, weight):
    B, H = x.shape
    V, D = weight.shape
    HP = 56
    info = plsc.get_sparse_core_info()
    nw = info.num_cores * info.num_subcores
    rows_w = B // nw
    ng = rows_w // _G
    assert B == nw * ng * _G and ng % 2 == 0, (B, nw, ng)

    xp = jnp.concatenate([x, x[:, : 64 - H]], axis=1).astype(jnp.int32)
    mesh = plsc.VectorSubcoreMesh(core_axis_name="c", subcore_axis_name="s")

    @functools.partial(
        pl.kernel,
        mesh=mesh,
        out_type=jax.ShapeDtypeStruct((B, HP, 128), jnp.float32),
        scratch_types=[
            pltpu.VMEM((rows_w, 64), jnp.int32),
            pltpu.VMEM((2, _G * 64, 128), jnp.float32),
            pltpu.SemaphoreType.DMA,
            pltpu.SemaphoreType.DMA,
            pltpu.SemaphoreType.DMA,
            pltpu.SemaphoreType.DMA,
        ],
        compiler_params=pltpu.CompilerParams(use_tc_tiling_on_sc=False),
    )
    def run(xp_hbm, w_hbm, out_hbm, idx_v, rows_v,
            gsem0, gsem1, osem0, osem1):
        wid = lax.axis_index("s") * info.num_cores + lax.axis_index("c")
        base = wid * rows_w
        gsems = (gsem0, gsem1)
        osems = (osem0, osem1)
        pltpu.sync_copy(xp_hbm.at[pl.ds(wid * rows_w, rows_w)], idx_v)

        def issue_gathers(g, bank):
            for j in range(_G):
                r = g * _G + j
                pltpu.async_copy(
                    w_hbm.at[idx_v.at[r]],
                    rows_v.at[bank, pl.ds(j * 64, 64)],
                    gsems[bank],
                )

        def wait_gathers(bank):
            pltpu.make_async_copy(
                w_hbm.at[pl.ds(0, _G * 64)],
                rows_v.at[bank],
                gsems[bank],
            ).wait()

        def issue_out(g, bank):
            for j in range(_G):
                pltpu.async_copy(
                    rows_v.at[bank, pl.ds(j * 64, HP)],
                    out_hbm.at[base + g * _G + j],
                    osems[bank],
                )

        def wait_out(bank):
            pltpu.make_async_copy(
                w_hbm.at[pl.ds(0, _G * HP)],
                rows_v.at[bank, pl.ds(0, _G * HP)],
                osems[bank],
            ).wait()

        issue_gathers(0, 0)
        issue_gathers(1, 1)
        wait_gathers(0)
        issue_out(0, 0)

        def pair(p, carry):
            for b, g in ((1, 2 * p + 1), (0, 2 * p + 2)):
                wait_out(1 - b)
                issue_gathers(g + 1, 1 - b)
                wait_gathers(b)
                issue_out(g, b)
            return carry

        lax.fori_loop(0, (ng - 2) // 2, pair, 0)

        wait_out(0)
        wait_gathers(1)
        issue_out(ng - 1, 1)
        wait_out(1)

    wp = jnp.pad(weight, ((0, 0), (0, 128 - D)))
    out3 = run(xp, wp)
    return out3[:, :H, :D]

# --- scband reference (transcript-rebuilt; emitter-appended) ---
"""Pipeline reference for scband-regularized-embedding-2723009266283 (READ-ONLY COPY).

The authoritative reference and input builder live on the scoring server;
editing this copy changes nothing except your own understanding.
"""

import jax, jax.numpy as jnp
import numpy as np

N_INPUT = 1000000
N_OUTPUT = 64
BATCH = 16384
HIST = 50


def setup_inputs(seed: int = 0) -> dict:
    key = jax.random.key(seed)
    k1, k2 = jax.random.split(key)
    x = jax.random.randint(k1, (BATCH, HIST), 0, N_INPUT, dtype=jnp.int64 if jax.config.read('jax_enable_x64') else jnp.int32)
    weight = jax.random.normal(k2, (N_INPUT, N_OUTPUT), dtype=jnp.float32)
    return {"x": x, "weight": weight}


def reference(x, weight):
    # nn.Embedding lookup; module in eval mode so no Gaussian noise is added
    # (the noise branch only runs when self.training and sigma != 0).
    return jnp.take(weight, x, axis=0)

if __name__ == "__main__":
    import jax
    _d = setup_inputs()
    print(jax.jit(kernel)(*tuple(_d.values())))

</pallas_src>

<mosaic_0001>
#map = affine_map<(d0, d1) -> (0, 0)>
#map1 = affine_map<(d0, d1) -> (0, 0, 0)>
module attributes {stable_mosaic.version = 14 : i64} {
  func.func @run(%arg0: i32, %arg1: i32, %arg2: memref<16384x64xi32, #tpu.memory_space<hbm>>, %arg3: memref<1000000x128xf32, #tpu.memory_space<hbm>>, %arg4: memref<16384x56x128xf32, #tpu.memory_space<hbm>>, %arg5: memref<512x64xi32, #tpu.memory_space<vmem>>, %arg6: memref<2x256x128xf32, #tpu.memory_space<vmem>>, %arg7: memref<!tpu.dma_semaphore, #tpu.memory_space<semaphore_mem>>, %arg8: memref<!tpu.dma_semaphore, #tpu.memory_space<semaphore_mem>>, %arg9: memref<!tpu.dma_semaphore, #tpu.memory_space<semaphore_mem>>, %arg10: memref<!tpu.dma_semaphore, #tpu.memory_space<semaphore_mem>>) attributes {dimension_semantics = [#tpu.dimension_semantics<core_parallel>, #tpu.dimension_semantics<subcore_parallel>], iteration_bounds = array<i64: 2, 16>, scalar_prefetch = 0 : i64, scratch_operands = 6 : i64, tpu.core_type = #tpu.core_type<sc_vector_subcore>, window_params = [{transform_indices = #map}, {transform_indices = #map}, {transform_indices = #map1}]} {
    %mul3A = arith.constant 2 : i32
    %mul3A_0 = arith.muli %arg1, %mul3A : i32
    %add3A = arith.addi %mul3A_0, %arg0 : i32
    %mul3A_1 = arith.constant 512 : i32
    %mul3A_2 = arith.muli %add3A, %mul3A_1 : i32
    %mul3A_3 = arith.constant 512 : i32
    %mul3A_4 = arith.muli %add3A, %mul3A_3 : i32
    "tpu.region"() ({
      %run_scoped3A = tpu.sem_alloc : memref<!tpu.dma_semaphore, #tpu.memory_space<semaphore_mem>>
      %dma_start3A_332 = arith.constant 0 : i32
      %dma_start3A_333 = tpu.memref_slice %arg2[%mul3A_4, %dma_start3A_332] : memref<16384x64xi32, #tpu.memory_space<hbm>> -> memref<512x64xi32, #tpu.memory_space<hbm>>
      %dma_start3A_334 = arith.constant 0 : i32
      %dma_start3A_335 = tpu.memref_slice %arg2[%mul3A_4, %dma_start3A_334] : memref<16384x64xi32, #tpu.memory_space<hbm>> -> memref<512x64xi32, #tpu.memory_space<hbm>>
      tpu.enqueue_dma source(%dma_start3A_335 : memref<512x64xi32, #tpu.memory_space<hbm>>) target(%arg5 : memref<512x64xi32, #tpu.memory_space<vmem>>) target_semaphore(%run_scoped3A : memref<!tpu.dma_semaphore, #tpu.memory_space<semaphore_mem>>)
      %dma_wait3A_336 = arith.constant 0 : i32
      %dma_wait3A_337 = tpu.memref_slice %arg2[%mul3A_4, %dma_wait3A_336] : memref<16384x64xi32, #tpu.memory_space<hbm>> -> memref<512x64xi32, #tpu.memory_space<hbm>>
      %dma_wait3A_338 = arith.constant 0 : i32
      %dma_wait3A_339 = tpu.memref_slice %arg2[%mul3A_4, %dma_wait3A_338] : memref<16384x64xi32, #tpu.memory_space<hbm>> -> memref<512x64xi32, #tpu.memory_space<hbm>>
      tpu.wait_dma2 semaphore(%run_scoped3A : memref<!tpu.dma_semaphore, #tpu.memory_space<semaphore_mem>>) src(%dma_wait3A_339 : memref<512x64xi32, #tpu.memory_space<hbm>>) dst(%arg5 : memref<512x64xi32, #tpu.memory_space<vmem>>)
      tpu.yield
    }) : () -> ()
    %dma_start3A = arith.constant 0 : i32
    %dma_start3A_5 = arith.constant 0 : i32
    %dma_start3A_6 = arith.constant 0 : i32
    %dma_start3A_7 = arith.constant 0 : i32
    %dma_start3A_8 = tpu.memref_slice %arg6[%dma_start3A_5, %dma_start3A_6, %dma_start3A_7] : memref<2x256x128xf32, #tpu.memory_space<vmem>> -> memref<1x64x128xf32, #tpu.memory_space<vmem>>
    %dma_start3A_9 = tpu.memref_squeeze %dma_start3A_8 : memref<1x64x128xf32, #tpu.memory_space<vmem>> -> memref<64x128xf32, #tpu.memory_space<vmem>>
    %dma_start3A_10 = arith.constant 0 : i32
    %dma_start3A_11 = tpu.memref_slice %arg5[%dma_start3A, %dma_start3A_10] : memref<512x64xi32, #tpu.memory_space<vmem>> -> memref<1x64xi32, #tpu.memory_space<vmem>>
    %dma_start3A_12 = tpu.memref_squeeze %dma_start3A_11 : memref<1x64xi32, #tpu.memory_space<vmem>> -> memref<64xi32, #tpu.memory_space<vmem>>
    %dma_start3A_13 = arith.constant 0 : i32
    %dma_start3A_14 = arith.constant 0 : i32
    %dma_start3A_15 = tpu.memref_slice %arg3[%dma_start3A_13, %dma_start3A_14] : memref<1000000x128xf32, #tpu.memory_space<hbm>> -> memref<1000000x128xf32, #tpu.memory_space<hbm>>
    tpu.enqueue_indirect_dma source(%dma_start3A_15 : memref<1000000x128xf32, #tpu.memory_space<hbm>>) target(%dma_start3A_9 : memref<64x128xf32, #tpu.memory_space<vmem>>) offsets(%dma_start3A_12 : memref<64xi32, #tpu.memory_space<vmem>>) semaphore(%arg7 : memref<!tpu.dma_semaphore, #tpu.memory_space<semaphore_mem>>)
    %dma_start3A_16 = arith.constant 1 : i32
    %dma_start3A_17 = arith.constant 0 : i32
    %dma_start3A_18 = arith.constant 64 : i32
    %dma_start3A_19 = arith.constant 0 : i32
    %dma_start3A_20 = tpu.memref_slice %arg6[%dma_start3A_17, %dma_start3A_18, %dma_start3A_19] : memref<2x256x128xf32, #tpu.memory_space<vmem>> -> memref<1x64x128xf32, #tpu.memory_space<vmem>>
    %dma_start3A_21 = tpu.memref_squeeze %dma_start3A_20 : memref<1x64x128xf32, #tpu.memory_space<vmem>> -> memref<64x128xf32, #tpu.memory_space<vmem>>
    %dma_start3A_22 = arith.constant 0 : i32
    %dma_start3A_23 = tpu.memref_slice %arg5[%dma_start3A_16, %dma_start3A_22] : memref<512x64xi32, #tpu.memory_space<vmem>> -> memref<1x64xi32, #tpu.memory_space<vmem>>
    %dma_start3A_24 = tpu.memref_squeeze %dma_start3A_23 : memref<1x64xi32, #tpu.memory_space<vmem>> -> memref<64xi32, #tpu.memory_space<vmem>>
    %dma_start3A_25 = arith.constant 0 : i32
    %dma_start3A_26 = arith.constant 0 : i32
    %dma_start3A_27 = tpu.memref_slice %arg3[%dma_start3A_25, %dma_start3A_26] : memref<1000000x128xf32, #tpu.memory_space<hbm>> -> memref<1000000x128xf32, #tpu.memory_space<hbm>>
    tpu.enqueue_indirect_dma source(%dma_start3A_27 : memref<1000000x128xf32, #tpu.memory_space<hbm>>) target(%dma_start3A_21 : memref<64x128xf32, #tpu.memory_space<vmem>>) offsets(%dma_start3A_24 : memref<64xi32, #tpu.memory_space<vmem>>) semaphore(%arg7 : memref<!tpu.dma_semaphore, #tpu.memory_space<semaphore_mem>>)
    %dma_start3A_28 = arith.constant 2 : i32
    %dma_start3A_29 = arith.constant 0 : i32
    %dma_start3A_30 = arith.constant 128 : i32
    %dma_start3A_31 = arith.constant 0 : i32
    %dma_start3A_32 = tpu.memref_slice %arg6[%dma_start3A_29, %dma_start3A_30, %dma_start3A_31] : memref<2x256x128xf32, #tpu.memory_space<vmem>> -> memref<1x64x128xf32, #tpu.memory_space<vmem>>
    %dma_start3A_33 = tpu.memref_squeeze %dma_start3A_32 : memref<1x64x128xf32, #tpu.memory_space<vmem>> -> memref<64x128xf32, #tpu.memory_space<vmem>>
    %dma_start3A_34 = arith.constant 0 : i32
    %dma_start3A_35 = tpu.memref_slice %arg5[%dma_start3A_28, %dma_start3A_34] : memref<512x64xi32, #tpu.memory_space<vmem>> -> memref<1x64xi32, #tpu.memory_space<vmem>>
    %dma_start3A_36 = tpu.memref_squeeze %dma_start3A_35 : memref<1x64xi32, #tpu.memory_space<vmem>> -> memref<64xi32, #tpu.memory_space<vmem>>
    %dma_start3A_37 = arith.constant 0 : i32
    %dma_start3A_38 = arith.constant 0 : i32
    %dma_start3A_39 = tpu.memref_slice %arg3[%dma_start3A_37, %dma_start3A_38] : memref<1000000x128xf32, #tpu.memory_space<hbm>> -> memref<1000000x128xf32, #tpu.memory_space<hbm>>
    tpu.enqueue_indirect_dma source(%dma_start3A_39 : memref<1000000x128xf32, #tpu.memory_space<hbm>>) target(%dma_start3A_33 : memref<64x128xf32, #tpu.memory_space<vmem>>) offsets(%dma_start3A_36 : memref<64xi32, #tpu.memory_space<vmem>>) semaphore(%arg7 : memref<!tpu.dma_semaphore, #tpu.memory_space<semaphore_mem>>)
    %dma_start3A_40 = arith.constant 3 : i32
    %dma_start3A_41 = arith.constant 0 : i32
    %dma_start3A_42 = arith.constant 192 : i32
    %dma_start3A_43 = arith.constant 0 : i32
    %dma_start3A_44 = tpu.memref_slice %arg6[%dma_start3A_41, %dma_start3A_42, %dma_start3A_43] : memref<2x256x128xf32, #tpu.memory_space<vmem>> -> memref<1x64x128xf32, #tpu.memory_space<vmem>>
    %dma_start3A_45 = tpu.memref_squeeze %dma_start3A_44 : memref<1x64x128xf32, #tpu.memory_space<vmem>> -> memref<64x128xf32, #tpu.memory_space<vmem>>
    %dma_start3A_46 = arith.constant 0 : i32
    %dma_start3A_47 = tpu.memref_slice %arg5[%dma_start3A_40, %dma_start3A_46] : memref<512x64xi32, #tpu.memory_space<vmem>> -> memref<1x64xi32, #tpu.memory_space<vmem>>
    %dma_start3A_48 = tpu.memref_squeeze %dma_start3A_47 : memref<1x64xi32, #tpu.memory_space<vmem>> -> memref<64xi32, #tpu.memory_space<vmem>>
    %dma_start3A_49 = arith.constant 0 : i32
    %dma_start3A_50 = arith.constant 0 : i32
    %dma_start3A_51 = tpu.memref_slice %arg3[%dma_start3A_49, %dma_start3A_50] : memref<1000000x128xf32, #tpu.memory_space<hbm>> -> memref<1000000x128xf32, #tpu.memory_space<hbm>>
    tpu.enqueue_indirect_dma source(%dma_start3A_51 : memref<1000000x128xf32, #tpu.memory_space<hbm>>) target(%dma_start3A_45 : memref<64x128xf32, #tpu.memory_space<vmem>>) offsets(%dma_start3A_48 : memref<64xi32, #tpu.memory_space<vmem>>) semaphore(%arg7 : memref<!tpu.dma_semaphore, #tpu.memory_space<semaphore_mem>>)
    %dma_start3A_52 = arith.constant 4 : i32
    %dma_start3A_53 = arith.constant 1 : i32
    %dma_start3A_54 = arith.constant 0 : i32
    %dma_start3A_55 = arith.constant 0 : i32
    %dma_start3A_56 = tpu.memref_slice %arg6[%dma_start3A_53, %dma_start3A_54, %dma_start3A_55] : memref<2x256x128xf32, #tpu.memory_space<vmem>> -> memref<1x64x128xf32, #tpu.memory_space<vmem>>
    %dma_start3A_57 = tpu.memref_squeeze %dma_start3A_56 : memref<1x64x128xf32, #tpu.memory_space<vmem>> -> memref<64x128xf32, #tpu.memory_space<vmem>>
    %dma_start3A_58 = arith.constant 0 : i32
    %dma_start3A_59 = tpu.memref_slice %arg5[%dma_start3A_52, %dma_start3A_58] : memref<512x64xi32, #tpu.memory_space<vmem>> -> memref<1x64xi32, #tpu.memory_space<vmem>>
    %dma_start3A_60 = tpu.memref_squeeze %dma_start3A_59 : memref<1x64xi32, #tpu.memory_space<vmem>> -> memref<64xi32, #tpu.memory_space<vmem>>
    %dma_start3A_61 = arith.constant 0 : i32
    %dma_start3A_62 = arith.constant 0 : i32
    %dma_start3A_63 = tpu.memref_slice %arg3[%dma_start3A_61, %dma_start3A_62] : memref<1000000x128xf32, #tpu.memory_space<hbm>> -> memref<1000000x128xf32, #tpu.memory_space<hbm>>
    tpu.enqueue_indirect_dma source(%dma_start3A_63 : memref<1000000x128xf32, #tpu.memory_space<hbm>>) target(%dma_start3A_57 : memref<64x128xf32, #tpu.memory_space<vmem>>) offsets(%dma_start3A_60 : memref<64xi32, #tpu.memory_space<vmem>>) semaphore(%arg8 : memref<!tpu.dma_semaphore, #tpu.memory_space<semaphore_mem>>)
    %dma_start3A_64 = arith.constant 5 : i32
    %dma_start3A_65 = arith.constant 1 : i32
    %dma_start3A_66 = arith.constant 64 : i32
    %dma_start3A_67 = arith.constant 0 : i32
    %dma_start3A_68 = tpu.memref_slice %arg6[%dma_start3A_65, %dma_start3A_66, %dma_start3A_67] : memref<2x256x128xf32, #tpu.memory_space<vmem>> -> memref<1x64x128xf32, #tpu.memory_space<vmem>>
    %dma_start3A_69 = tpu.memref_squeeze %dma_start3A_68 : memref<1x64x128xf32, #tpu.memory_space<vmem>> -> memref<64x128xf32, #tpu.memory_space<vmem>>
    %dma_start3A_70 = arith.constant 0 : i32
    %dma_start3A_71 = tpu.memref_slice %arg5[%dma_start3A_64, %dma_start3A_70] : memref<512x64xi32, #tpu.memory_space<vmem>> -> memref<1x64xi32, #tpu.memory_space<vmem>>
    %dma_start3A_72 = tpu.memref_squeeze %dma_start3A_71 : memref<1x64xi32, #tpu.memory_space<vmem>> -> memref<64xi32, #tpu.memory_space<vmem>>
    %dma_start3A_73 = arith.constant 0 : i32
    %dma_start3A_74 = arith.constant 0 : i32
    %dma_start3A_75 = tpu.memref_slice %arg3[%dma_start3A_73, %dma_start3A_74] : memref<1000000x128xf32, #tpu.memory_space<hbm>> -> memref<1000000x128xf32, #tpu.memory_space<hbm>>
    tpu.enqueue_indirect_dma source(%dma_start3A_75 : memref<1000000x128xf32, #tpu.memory_space<hbm>>) target(%dma_start3A_69 : memref<64x128xf32, #tpu.memory_space<vmem>>) offsets(%dma_start3A_72 : memref<64xi32, #tpu.memory_space<vmem>>) semaphore(%arg8 : memref<!tpu.dma_semaphore, #tpu.memory_space<semaphore_mem>>)
    %dma_start3A_76 = arith.constant 6 : i32
    %dma_start3A_77 = arith.constant 1 : i32
    %dma_start3A_78 = arith.constant 128 : i32
    %dma_start3A_79 = arith.constant 0 : i32
    %dma_start3A_80 = tpu.memref_slice %arg6[%dma_start3A_77, %dma_start3A_78, %dma_start3A_79] : memref<2x256x128xf32, #tpu.memory_space<vmem>> -> memref<1x64x128xf32, #tpu.memory_space<vmem>>
    %dma_start3A_81 = tpu.memref_squeeze %dma_start3A_80 : memref<1x64x128xf32, #tpu.memory_space<vmem>> -> memref<64x128xf32, #tpu.memory_space<vmem>>
    %dma_start3A_82 = arith.constant 0 : i32
    %dma_start3A_83 = tpu.memref_slice %arg5[%dma_start3A_76, %dma_start3A_82] : memref<512x64xi32, #tpu.memory_space<vmem>> -> memref<1x64xi32, #tpu.memory_space<vmem>>
    %dma_start3A_84 = tpu.memref_squeeze %dma_start3A_83 : memref<1x64xi32, #tpu.memory_space<vmem>> -> memref<64xi32, #tpu.memory_space<vmem>>
    %dma_start3A_85 = arith.constant 0 : i32
    %dma_start3A_86 = arith.constant 0 : i32
    %dma_start3A_87 = tpu.memref_slice %arg3[%dma_start3A_85, %dma_start3A_86] : memref<1000000x128xf32, #tpu.memory_space<hbm>> -> memref<1000000x128xf32, #tpu.memory_space<hbm>>
    tpu.enqueue_indirect_dma source(%dma_start3A_87 : memref<1000000x128xf32, #tpu.memory_space<hbm>>) target(%dma_start3A_81 : memref<64x128xf32, #tpu.memory_space<vmem>>) offsets(%dma_start3A_84 : memref<64xi32, #tpu.memory_space<vmem>>) semaphore(%arg8 : memref<!tpu.dma_semaphore, #tpu.memory_space<semaphore_mem>>)
    %dma_start3A_88 = arith.constant 7 : i32
    %dma_start3A_89 = arith.constant 1 : i32
    %dma_start3A_90 = arith.constant 192 : i32
    %dma_start3A_91 = arith.constant 0 : i32
    %dma_start3A_92 = tpu.memref_slice %arg6[%dma_start3A_89, %dma_start3A_90, %dma_start3A_91] : memref<2x256x128xf32, #tpu.memory_space<vmem>> -> memref<1x64x128xf32, #tpu.memory_space<vmem>>
    %dma_start3A_93 = tpu.memref_squeeze %dma_start3A_92 : memref<1x64x128xf32, #tpu.memory_space<vmem>> -> memref<64x128xf32, #tpu.memory_space<vmem>>
    %dma_start3A_94 = arith.constant 0 : i32
    %dma_start3A_95 = tpu.memref_slice %arg5[%dma_start3A_88, %dma_start3A_94] : memref<512x64xi32, #tpu.memory_space<vmem>> -> memref<1x64xi32, #tpu.memory_space<vmem>>
    %dma_start3A_96 = tpu.memref_squeeze %dma_start3A_95 : memref<1x64xi32, #tpu.memory_space<vmem>> -> memref<64xi32, #tpu.memory_space<vmem>>
    %dma_start3A_97 = arith.constant 0 : i32
    %dma_start3A_98 = arith.constant 0 : i32
    %dma_start3A_99 = tpu.memref_slice %arg3[%dma_start3A_97, %dma_start3A_98] : memref<1000000x128xf32, #tpu.memory_space<hbm>> -> memref<1000000x128xf32, #tpu.memory_space<hbm>>
    tpu.enqueue_indirect_dma source(%dma_start3A_99 : memref<1000000x128xf32, #tpu.memory_space<hbm>>) target(%dma_start3A_93 : memref<64x128xf32, #tpu.memory_space<vmem>>) offsets(%dma_start3A_96 : memref<64xi32, #tpu.memory_space<vmem>>) semaphore(%arg8 : memref<!tpu.dma_semaphore, #tpu.memory_space<semaphore_mem>>)
    %dma_wait3A = arith.constant 0 : i32
    %dma_wait3A_100 = arith.constant 0 : i32
    %dma_wait3A_101 = arith.constant 0 : i32
    %dma_wait3A_102 = tpu.memref_slice %arg6[%dma_wait3A, %dma_wait3A_100, %dma_wait3A_101] : memref<2x256x128xf32, #tpu.memory_space<vmem>> -> memref<1x256x128xf32, #tpu.memory_space<vmem>>
    %dma_wait3A_103 = tpu.memref_squeeze %dma_wait3A_102 : memref<1x256x128xf32, #tpu.memory_space<vmem>> -> memref<256x128xf32, #tpu.memory_space<vmem>>
    %dma_wait3A_104 = arith.constant 0 : i32
    %dma_wait3A_105 = arith.constant 0 : i32
    %dma_wait3A_106 = tpu.memref_slice %arg3[%dma_wait3A_104, %dma_wait3A_105] : memref<1000000x128xf32, #tpu.memory_space<hbm>> -> memref<256x128xf32, #tpu.memory_space<hbm>>
    %dma_wait3A_107 = arith.constant 0 : i32
    %dma_wait3A_108 = arith.constant 0 : i32
    %dma_wait3A_109 = tpu.memref_slice %arg6[%dma_wait3A, %dma_wait3A_107, %dma_wait3A_108] : memref<2x256x128xf32, #tpu.memory_space<vmem>> -> memref<1x256x128xf32, #tpu.memory_space<vmem>>
    %dma_wait3A_110 = tpu.memref_squeeze %dma_wait3A_109 : memref<1x256x128xf32, #tpu.memory_space<vmem>> -> memref<256x128xf32, #tpu.memory_space<vmem>>
    %dma_wait3A_111 = arith.constant 0 : i32
    %dma_wait3A_112 = arith.constant 0 : i32
    %dma_wait3A_113 = tpu.memref_slice %arg3[%dma_wait3A_111, %dma_wait3A_112] : memref<1000000x128xf32, #tpu.memory_space<hbm>> -> memref<256x128xf32, #tpu.memory_space<hbm>>
    tpu.wait_dma2 semaphore(%arg7 : memref<!tpu.dma_semaphore, #tpu.memory_space<semaphore_mem>>) src(%dma_wait3A_113 : memref<256x128xf32, #tpu.memory_space<hbm>>) dst(%dma_wait3A_110 : memref<256x128xf32, #tpu.memory_space<vmem>>)
    %add3A_114 = arith.constant 0 : i32
    %add3A_115 = arith.addi %mul3A_2, %add3A_114 : i32
    %add3A_116 = arith.constant 0 : i32
    %add3A_117 = arith.addi %add3A_115, %add3A_116 : i32
    %dma_start3A_118 = arith.constant 0 : i32
    %dma_start3A_119 = arith.constant 0 : i32
    %dma_start3A_120 = arith.constant 0 : i32
    %dma_start3A_121 = tpu.memref_slice %arg6[%dma_start3A_118, %dma_start3A_119, %dma_start3A_120] : memref<2x256x128xf32, #tpu.memory_space<vmem>> -> memref<1x56x128xf32, #tpu.memory_space<vmem>>
    %dma_start3A_122 = tpu.memref_squeeze %dma_start3A_121 : memref<1x56x128xf32, #tpu.memory_space<vmem>> -> memref<56x128xf32, #tpu.memory_space<vmem>>
    %dma_start3A_123 = arith.constant 0 : i32
    %dma_start3A_124 = arith.constant 0 : i32
    %dma_start3A_125 = tpu.memref_slice %arg4[%add3A_117, %dma_start3A_123, %dma_start3A_124] : memref<16384x56x128xf32, #tpu.memory_space<hbm>> -> memref<1x56x128xf32, #tpu.memory_space<hbm>>
    %dma_start3A_126 = tpu.memref_squeeze %dma_start3A_125 : memref<1x56x128xf32, #tpu.memory_space<hbm>> -> memref<56x128xf32, #tpu.memory_space<hbm>>
    %dma_start3A_127 = arith.constant 0 : i32
    %dma_start3A_128 = arith.constant 0 : i32
    %dma_start3A_129 = tpu.memref_slice %arg4[%add3A_117, %dma_start3A_127, %dma_start3A_128] : memref<16384x56x128xf32, #tpu.memory_space<hbm>> -> memref<1x56x128xf32, #tpu.memory_space<hbm>>
    %dma_start3A_130 = tpu.memref_squeeze %dma_start3A_129 : memref<1x56x128xf32, #tpu.memory_space<hbm>> -> memref<56x128xf32, #tpu.memory_space<hbm>>
    %dma_start3A_131 = arith.constant 0 : i32
    %dma_start3A_132 = arith.constant 0 : i32
    %dma_start3A_133 = tpu.memref_slice %arg6[%dma_start3A_118, %dma_start3A_131, %dma_start3A_132] : memref<2x256x128xf32, #tpu.memory_space<vmem>> -> memref<1x56x128xf32, #tpu.memory_space<vmem>>
    %dma_start3A_134 = tpu.memref_squeeze %dma_start3A_133 : memref<1x56x128xf32, #tpu.memory_space<vmem>> -> memref<56x128xf32, #tpu.memory_space<vmem>>
    tpu.enqueue_dma source(%dma_start3A_134 : memref<56x128xf32, #tpu.memory_space<vmem>>) target(%dma_start3A_130 : memref<56x128xf32, #tpu.memory_space<hbm>>) target_semaphore(%arg9 : memref<!tpu.dma_semaphore, #tpu.memory_space<semaphore_mem>>)
    %add3A_135 = arith.constant 0 : i32
    %add3A_136 = arith.addi %mul3A_2, %add3A_135 : i32
    %add3A_137 = arith.constant 1 : i32
    %add3A_138 = arith.addi %add3A_136, %add3A_137 : i32
    %dma_start3A_139 = arith.constant 0 : i32
    %dma_start3A_140 = arith.constant 64 : i32
    %dma_start3A_141 = arith.constant 0 : i32
    %dma_start3A_142 = tpu.memref_slice %arg6[%dma_start3A_139, %dma_start3A_140, %dma_start3A_141] : memref<2x256x128xf32, #tpu.memory_space<vmem>> -> memref<1x56x128xf32, #tpu.memory_space<vmem>>
    %dma_start3A_143 = tpu.memref_squeeze %dma_start3A_142 : memref<1x56x128xf32, #tpu.memory_space<vmem>> -> memref<56x128xf32, #tpu.memory_space<vmem>>
    %dma_start3A_144 = arith.constant 0 : i32
    %dma_start3A_145 = arith.constant 0 : i32
    %dma_start3A_146 = tpu.memref_slice %arg4[%add3A_138, %dma_start3A_144, %dma_start3A_145] : memref<16384x56x128xf32, #tpu.memory_space<hbm>> -> memref<1x56x128xf32, #tpu.memory_space<hbm>>
    %dma_start3A_147 = tpu.memref_squeeze %dma_start3A_146 : memref<1x56x128xf32, #tpu.memory_space<hbm>> -> memref<56x128xf32, #tpu.memory_space<hbm>>
    %dma_start3A_148 = arith.constant 0 : i32
    %dma_start3A_149 = arith.constant 0 : i32
    %dma_start3A_150 = tpu.memref_slice %arg4[%add3A_138, %dma_start3A_148, %dma_start3A_149] : memref<16384x56x128xf32, #tpu.memory_space<hbm>> -> memref<1x56x128xf32, #tpu.memory_space<hbm>>
    %dma_start3A_151 = tpu.memref_squeeze %dma_start3A_150 : memref<1x56x128xf32, #tpu.memory_space<hbm>> -> memref<56x128xf32, #tpu.memory_space<hbm>>
    %dma_start3A_152 = arith.constant 64 : i32
    %dma_start3A_153 = arith.constant 0 : i32
    %dma_start3A_154 = tpu.memref_slice %arg6[%dma_start3A_139, %dma_start3A_152, %dma_start3A_153] : memref<2x256x128xf32, #tpu.memory_space<vmem>> -> memref<1x56x128xf32, #tpu.memory_space<vmem>>
    %dma_start3A_155 = tpu.memref_squeeze %dma_start3A_154 : memref<1x56x128xf32, #tpu.memory_space<vmem>> -> memref<56x128xf32, #tpu.memory_space<vmem>>
    tpu.enqueue_dma source(%dma_start3A_155 : memref<56x128xf32, #tpu.memory_space<vmem>>) target(%dma_start3A_151 : memref<56x128xf32, #tpu.memory_space<hbm>>) target_semaphore(%arg9 : memref<!tpu.dma_semaphore, #tpu.memory_space<semaphore_mem>>)
    %add3A_156 = arith.constant 0 : i32
    %add3A_157 = arith.addi %mul3A_2, %add3A_156 : i32
    %add3A_158 = arith.constant 2 : i32
    %add3A_159 = arith.addi %add3A_157, %add3A_158 : i32
    %dma_start3A_160 = arith.constant 0 : i32
    %dma_start3A_161 = arith.constant 128 : i32
    %dma_start3A_162 = arith.constant 0 : i32
    %dma_start3A_163 = tpu.memref_slice %arg6[%dma_start3A_160, %dma_start3A_161, %dma_start3A_162] : memref<2x256x128xf32, #tpu.memory_space<vmem>> -> memref<1x56x128xf32, #tpu.memory_space<vmem>>
    %dma_start3A_164 = tpu.memref_squeeze %dma_start3A_163 : memref<1x56x128xf32, #tpu.memory_space<vmem>> -> memref<56x128xf32, #tpu.memory_space<vmem>>
    %dma_start3A_165 = arith.constant 0 : i32
    %dma_start3A_166 = arith.constant 0 : i32
    %dma_start3A_167 = tpu.memref_slice %arg4[%add3A_159, %dma_start3A_165, %dma_start3A_166] : memref<16384x56x128xf32, #tpu.memory_space<hbm>> -> memref<1x56x128xf32, #tpu.memory_space<hbm>>
    %dma_start3A_168 = tpu.memref_squeeze %dma_start3A_167 : memref<1x56x128xf32, #tpu.memory_space<hbm>> -> memref<56x128xf32, #tpu.memory_space<hbm>>
    %dma_start3A_169 = arith.constant 0 : i32
    %dma_start3A_170 = arith.constant 0 : i32
    %dma_start3A_171 = tpu.memref_slice %arg4[%add3A_159, %dma_start3A_169, %dma_start3A_170] : memref<16384x56x128xf32, #tpu.memory_space<hbm>> -> memref<1x56x128xf32, #tpu.memory_space<hbm>>
    %dma_start3A_172 = tpu.memref_squeeze %dma_start3A_171 : memref<1x56x128xf32, #tpu.memory_space<hbm>> -> memref<56x128xf32, #tpu.memory_space<hbm>>
    %dma_start3A_173 = arith.constant 128 : i32
    %dma_start3A_174 = arith.constant 0 : i32
    %dma_start3A_175 = tpu.memref_slice %arg6[%dma_start3A_160, %dma_start3A_173, %dma_start3A_174] : memref<2x256x128xf32, #tpu.memory_space<vmem>> -> memref<1x56x128xf32, #tpu.memory_space<vmem>>
    %dma_start3A_176 = tpu.memref_squeeze %dma_start3A_175 : memref<1x56x128xf32, #tpu.memory_space<vmem>> -> memref<56x128xf32, #tpu.memory_space<vmem>>
    tpu.enqueue_dma source(%dma_start3A_176 : memref<56x128xf32, #tpu.memory_space<vmem>>) target(%dma_start3A_172 : memref<56x128xf32, #tpu.memory_space<hbm>>) target_semaphore(%arg9 : memref<!tpu.dma_semaphore, #tpu.memory_space<semaphore_mem>>)
    %add3A_177 = arith.constant 0 : i32
    %add3A_178 = arith.addi %mul3A_2, %add3A_177 : i32
    %add3A_179 = arith.constant 3 : i32
    %add3A_180 = arith.addi %add3A_178, %add3A_179 : i32
    %dma_start3A_181 = arith.constant 0 : i32
    %dma_start3A_182 = arith.constant 192 : i32
    %dma_start3A_183 = arith.constant 0 : i32
    %dma_start3A_184 = tpu.memref_slice %arg6[%dma_start3A_181, %dma_start3A_182, %dma_start3A_183] : memref<2x256x128xf32, #tpu.memory_space<vmem>> -> memref<1x56x128xf32, #tpu.memory_space<vmem>>
    %dma_start3A_185 = tpu.memref_squeeze %dma_start3A_184 : memref<1x56x128xf32, #tpu.memory_space<vmem>> -> memref<56x128xf32, #tpu.memory_space<vmem>>
    %dma_start3A_186 = arith.constant 0 : i32
    %dma_start3A_187 = arith.constant 0 : i32
    %dma_start3A_188 = tpu.memref_slice %arg4[%add3A_180, %dma_start3A_186, %dma_start3A_187] : memref<16384x56x128xf32, #tpu.memory_space<hbm>> -> memref<1x56x128xf32, #tpu.memory_space<hbm>>
    %dma_start3A_189 = tpu.memref_squeeze %dma_start3A_188 : memref<1x56x128xf32, #tpu.memory_space<hbm>> -> memref<56x128xf32, #tpu.memory_space<hbm>>
    %dma_start3A_190 = arith.constant 0 : i32
    %dma_start3A_191 = arith.constant 0 : i32
    %dma_start3A_192 = tpu.memref_slice %arg4[%add3A_180, %dma_start3A_190, %dma_start3A_191] : memref<16384x56x128xf32, #tpu.memory_space<hbm>> -> memref<1x56x128xf32, #tpu.memory_space<hbm>>
    %dma_start3A_193 = tpu.memref_squeeze %dma_start3A_192 : memref<1x56x128xf32, #tpu.memory_space<hbm>> -> memref<56x128xf32, #tpu.memory_space<hbm>>
    %dma_start3A_194 = arith.constant 192 : i32
    %dma_start3A_195 = arith.constant 0 : i32
    %dma_start3A_196 = tpu.memref_slice %arg6[%dma_start3A_181, %dma_start3A_194, %dma_start3A_195] : memref<2x256x128xf32, #tpu.memory_space<vmem>> -> memref<1x56x128xf32, #tpu.memory_space<vmem>>
    %dma_start3A_197 = tpu.memref_squeeze %dma_start3A_196 : memref<1x56x128xf32, #tpu.memory_space<vmem>> -> memref<56x128xf32, #tpu.memory_space<vmem>>
    tpu.enqueue_dma source(%dma_start3A_197 : memref<56x128xf32, #tpu.memory_space<vmem>>) target(%dma_start3A_193 : memref<56x128xf32, #tpu.memory_space<hbm>>) target_semaphore(%arg9 : memref<!tpu.dma_semaphore, #tpu.memory_space<semaphore_mem>>)
    %scan3A = arith.constant 0 : i32
    %scan3A_198 = arith.constant 0 : i32
    %scan3A_199 = arith.constant 63 : i32
    %scan3A_200 = arith.addi %scan3A_198, %scan3A_199 : i32
    %scan3A_201 = arith.constant 1 : i32
    scf.for %scan3A_332 = %scan3A_198 to %scan3A_200 step %scan3A_201  : i32 {
      %mul3A_333 = arith.constant 2 : i32
      %mul3A_334 = arith.muli %mul3A_333, %scan3A_332 : i32
      %add3A_335 = arith.constant 1 : i32
      %add3A_336 = arith.addi %mul3A_334, %add3A_335 : i32
      %mul3A_337 = arith.constant 2 : i32
      %mul3A_338 = arith.muli %mul3A_337, %scan3A_332 : i32
      %add3A_339 = arith.constant 2 : i32
      %add3A_340 = arith.addi %mul3A_338, %add3A_339 : i32
      %dma_wait3A_341 = arith.constant 0 : i32
      %dma_wait3A_342 = arith.constant 0 : i32
      %dma_wait3A_343 = arith.constant 0 : i32
      %dma_wait3A_344 = tpu.memref_slice %arg6[%dma_wait3A_341, %dma_wait3A_342, %dma_wait3A_343] : memref<2x256x128xf32, #tpu.memory_space<vmem>> -> memref<1x224x128xf32, #tpu.memory_space<vmem>>
      %dma_wait3A_345 = tpu.memref_squeeze %dma_wait3A_344 : memref<1x224x128xf32, #tpu.memory_space<vmem>> -> memref<224x128xf32, #tpu.memory_space<vmem>>
      %dma_wait3A_346 = arith.constant 0 : i32
      %dma_wait3A_347 = arith.constant 0 : i32
      %dma_wait3A_348 = tpu.memref_slice %arg3[%dma_wait3A_346, %dma_wait3A_347] : memref<1000000x128xf32, #tpu.memory_space<hbm>> -> memref<224x128xf32, #tpu.memory_space<hbm>>
      %dma_wait3A_349 = arith.constant 0 : i32
      %dma_wait3A_350 = arith.constant 0 : i32
      %dma_wait3A_351 = tpu.memref_slice %arg6[%dma_wait3A_341, %dma_wait3A_349, %dma_wait3A_350] : memref<2x256x128xf32, #tpu.memory_space<vmem>> -> memref<1x224x128xf32, #tpu.memory_space<vmem>>
      %dma_wait3A_352 = tpu.memref_squeeze %dma_wait3A_351 : memref<1x224x128xf32, #tpu.memory_space<vmem>> -> memref<224x128xf32, #tpu.memory_space<vmem>>
      %dma_wait3A_353 = arith.constant 0 : i32
      %dma_wait3A_354 = arith.constant 0 : i32
      %dma_wait3A_355 = tpu.memref_slice %arg3[%dma_wait3A_353, %dma_wait3A_354] : memref<1000000x128xf32, #tpu.memory_space<hbm>> -> memref<224x128xf32, #tpu.memory_space<hbm>>
      tpu.wait_dma2 semaphore(%arg9 : memref<!tpu.dma_semaphore, #tpu.memory_space<semaphore_mem>>) src(%dma_wait3A_355 : memref<224x128xf32, #tpu.memory_space<hbm>>) dst(%dma_wait3A_352 : memref<224x128xf32, #tpu.memory_space<vmem>>)
      %add3A_356 = arith.constant 1 : i32
      %add3A_357 = arith.addi %add3A_336, %add3A_356 : i32
      %mul3A_358 = arith.constant 4 : i32
      %mul3A_359 = arith.muli %add3A_357, %mul3A_358 : i32
      %add3A_360 = arith.constant 0 : i32
      %add3A_361 = arith.addi %mul3A_359, %add3A_360 : i32
      %dma_start3A_362 = arith.constant 0 : i32
      %dma_start3A_363 = arith.constant 0 : i32
      %dma_start3A_364 = arith.constant 0 : i32
      %dma_start3A_365 = tpu.memref_slice %arg6[%dma_start3A_362, %dma_start3A_363, %dma_start3A_364] : memref<2x256x128xf32, #tpu.memory_space<vmem>> -> memref<1x64x128xf32, #tpu.memory_space<vmem>>
      %dma_start3A_366 = tpu.memref_squeeze %dma_start3A_365 : memref<1x64x128xf32, #tpu.memory_space<vmem>> -> memref<64x128xf32, #tpu.memory_space<vmem>>
      %dma_start3A_367 = arith.constant 0 : i32
      %dma_start3A_368 = tpu.memref_slice %arg5[%add3A_361, %dma_start3A_367] : memref<512x64xi32, #tpu.memory_space<vmem>> -> memref<1x64xi32, #tpu.memory_space<vmem>>
      %dma_start3A_369 = tpu.memref_squeeze %dma_start3A_368 : memref<1x64xi32, #tpu.memory_space<vmem>> -> memref<64xi32, #tpu.memory_space<vmem>>
      %dma_start3A_370 = arith.constant 0 : i32
      %dma_start3A_371 = arith.constant 0 : i32
      %dma_start3A_372 = tpu.memref_slice %arg3[%dma_start3A_370, %dma_start3A_371] : memref<1000000x128xf32, #tpu.memory_space<hbm>> -> memref<1000000x128xf32, #tpu.memory_space<hbm>>
      tpu.enqueue_indirect_dma source(%dma_start3A_372 : memref<1000000x128xf32, #tpu.memory_space<hbm>>) target(%dma_start3A_366 : memref<64x128xf32, #tpu.memory_space<vmem>>) offsets(%dma_start3A_369 : memref<64xi32, #tpu.memory_space<vmem>>) semaphore(%arg7 : memref<!tpu.dma_semaphore, #tpu.memory_space<semaphore_mem>>)
      %mul3A_373 = arith.constant 4 : i32
      %mul3A_374 = arith.muli %add3A_357, %mul3A_373 : i32
      %add3A_375 = arith.constant 1 : i32
      %add3A_376 = arith.addi %mul3A_374, %add3A_375 : i32
      %dma_start3A_377 = arith.constant 0 : i32
      %dma_start3A_378 = arith.constant 64 : i32
      %dma_start3A_379 = arith.constant 0 : i32
      %dma_start3A_380 = tpu.memref_slice %arg6[%dma_start3A_377, %dma_start3A_378, %dma_start3A_379] : memref<2x256x128xf32, #tpu.memory_space<vmem>> -> memref<1x64x128xf32, #tpu.memory_space<vmem>>
      %dma_start3A_381 = tpu.memref_squeeze %dma_start3A_380 : memref<1x64x128xf32, #tpu.memory_space<vmem>> -> memref<64x128xf32, #tpu.memory_space<vmem>>
      %dma_start3A_382 = arith.constant 0 : i32
      %dma_start3A_383 = tpu.memref_slice %arg5[%add3A_376, %dma_start3A_382] : memref<512x64xi32, #tpu.memory_space<vmem>> -> memref<1x64xi32, #tpu.memory_space<vmem>>
      %dma_start3A_384 = tpu.memref_squeeze %dma_start3A_383 : memref<1x64xi32, #tpu.memory_space<vmem>> -> memref<64xi32, #tpu.memory_space<vmem>>
      %dma_start3A_385 = arith.constant 0 : i32
      %dma_start3A_386 = arith.constant 0 : i32
      %dma_start3A_387 = tpu.memref_slice %arg3[%dma_start3A_385, %dma_start3A_386] : memref<1000000x128xf32, #tpu.memory_space<hbm>> -> memref<1000000x128xf32, #tpu.memory_space<hbm>>
      tpu.enqueue_indirect_dma source(%dma_start3A_387 : memref<1000000x128xf32, #tpu.memory_space<hbm>>) target(%dma_start3A_381 : memref<64x128xf32, #tpu.memory_space<vmem>>) offsets(%dma_start3A_384 : memref<64xi32, #tpu.memory_space<vmem>>) semaphore(%arg7 : memref<!tpu.dma_semaphore, #tpu.memory_space<semaphore_mem>>)
      %mul3A_388 = arith.constant 4 : i32
      %mul3A_389 = arith.muli %add3A_357, %mul3A_388 : i32
      %add3A_390 = arith.constant 2 : i32
      %add3A_391 = arith.addi %mul3A_389, %add3A_390 : i32
      %dma_start3A_392 = arith.constant 0 : i32
      %dma_start3A_393 = arith.constant 128 : i32
      %dma_start3A_394 = arith.constant 0 : i32
      %dma_start3A_395 = tpu.memref_slice %arg6[%dma_start3A_392, %dma_start3A_393, %dma_start3A_394] : memref<2x256x128xf32, #tpu.memory_space<vmem>> -> memref<1x64x128xf32, #tpu.memory_space<vmem>>
      %dma_start3A_396 = tpu.memref_squeeze %dma_start3A_395 : memref<1x64x128xf32, #tpu.memory_space<vmem>> -> memref<64x128xf32, #tpu.memory_space<vmem>>
      %dma_start3A_397 = arith.constant 0 : i32
      %dma_start3A_398 = tpu.memref_slice %arg5[%add3A_391, %dma_start3A_397] : memref<512x64xi32, #tpu.memory_space<vmem>> -> memref<1x64xi32, #tpu.memory_space<vmem>>
      %dma_start3A_399 = tpu.memref_squeeze %dma_start3A_398 : memref<1x64xi32, #tpu.memory_space<vmem>> -> memref<64xi32, #tpu.memory_space<vmem>>
      %dma_start3A_400 = arith.constant 0 : i32
      %dma_start3A_401 = arith.constant 0 : i32
      %dma_start3A_402 = tpu.memref_slice %arg3[%dma_start3A_400, %dma_start3A_401] : memref<1000000x128xf32, #tpu.memory_space<hbm>> -> memref<1000000x128xf32, #tpu.memory_space<hbm>>
      tpu.enqueue_indirect_dma source(%dma_start3A_402 : memref<1000000x128xf32, #tpu.memory_space<hbm>>) target(%dma_start3A_396 : memref<64x128xf32, #tpu.memory_space<vmem>>) offsets(%dma_start3A_399 : memref<64xi32, #tpu.memory_space<vmem>>) semaphore(%arg7 : memref<!tpu.dma_semaphore, #tpu.memory_space<semaphore_mem>>)
      %mul3A_403 = arith.constant 4 : i32
      %mul3A_404 = arith.muli %add3A_357, %mul3A_403 : i32
      %add3A_405 = arith.constant 3 : i32
      %add3A_406 = arith.addi %mul3A_404, %add3A_405 : i32
      %dma_start3A_407 = arith.constant 0 : i32
      %dma_start3A_408 = arith.constant 192 : i32
      %dma_start3A_409 = arith.constant 0 : i32
      %dma_start3A_410 = tpu.memref_slice %arg6[%dma_start3A_407, %dma_start3A_408, %dma_start3A_409] : memref<2x256x128xf32, #tpu.memory_space<vmem>> -> memref<1x64x128xf32, #tpu.memory_space<vmem>>
      %dma_start3A_411 = tpu.memref_squeeze %dma_start3A_410 : memref<1x64x128xf32, #tpu.memory_space<vmem>> -> memref<64x128xf32, #tpu.memory_space<vmem>>
      %dma_start3A_412 = arith.constant 0 : i32
      %dma_start3A_413 = tpu.memref_slice %arg5[%add3A_406, %dma_start3A_412] : memref<512x64xi32, #tpu.memory_space<vmem>> -> memref<1x64xi32, #tpu.memory_space<vmem>>
      %dma_start3A_414 = tpu.memref_squeeze %dma_start3A_413 : memref<1x64xi32, #tpu.memory_space<vmem>> -> memref<64xi32, #tpu.memory_space<vmem>>
      %dma_start3A_415 = arith.constant 0 : i32
      %dma_start3A_416 = arith.constant 0 : i32
      %dma_start3A_417 = tpu.memref_slice %arg3[%dma_start3A_415, %dma_start3A_416] : memref<1000000x128xf32, #tpu.memory_space<hbm>> -> memref<1000000x128xf32, #tpu.memory_space<hbm>>
      tpu.enqueue_indirect_dma source(%dma_start3A_417 : memref<1000000x128xf32, #tpu.memory_space<hbm>>) target(%dma_start3A_411 : memref<64x128xf32, #tpu.memory_space<vmem>>) offsets(%dma_start3A_414 : memref<64xi32, #tpu.memory_space<vmem>>) semaphore(%arg7 : memref<!tpu.dma_semaphore, #tpu.memory_space<semaphore_mem>>)
      %dma_wait3A_418 = arith.constant 1 : i32
      %dma_wait3A_419 = arith.constant 0 : i32
      %dma_wait3A_420 = arith.constant 0 : i32
      %dma_wait3A_421 = tpu.memref_slice %arg6[%dma_wait3A_418, %dma_wait3A_419, %dma_wait3A_420] : memref<2x256x128xf32, #tpu.memory_space<vmem>> -> memref<1x256x128xf32, #tpu.memory_space<vmem>>
      %dma_wait3A_422 = tpu.memref_squeeze %dma_wait3A_421 : memref<1x256x128xf32, #tpu.memory_space<vmem>> -> memref<256x128xf32, #tpu.memory_space<vmem>>
      %dma_wait3A_423 = arith.constant 0 : i32
      %dma_wait3A_424 = arith.constant 0 : i32
      %dma_wait3A_425 = tpu.memref_slice %arg3[%dma_wait3A_423, %dma_wait3A_424] : memref<1000000x128xf32, #tpu.memory_space<hbm>> -> memref<256x128xf32, #tpu.memory_space<hbm>>
      %dma_wait3A_426 = arith.constant 0 : i32
      %dma_wait3A_427 = arith.constant 0 : i32
      %dma_wait3A_428 = tpu.memref_slice %arg6[%dma_wait3A_418, %dma_wait3A_426, %dma_wait3A_427] : memref<2x256x128xf32, #tpu.memory_space<vmem>> -> memref<1x256x128xf32, #tpu.memory_space<vmem>>
      %dma_wait3A_429 = tpu.memref_squeeze %dma_wait3A_428 : memref<1x256x128xf32, #tpu.memory_space<vmem>> -> memref<256x128xf32, #tpu.memory_space<vmem>>
      %dma_wait3A_430 = arith.constant 0 : i32
      %dma_wait3A_431 = arith.constant 0 : i32
      %dma_wait3A_432 = tpu.memref_slice %arg3[%dma_wait3A_430, %dma_wait3A_431] : memref<1000000x128xf32, #tpu.memory_space<hbm>> -> memref<256x128xf32, #tpu.memory_space<hbm>>
      tpu.wait_dma2 semaphore(%arg8 : memref<!tpu.dma_semaphore, #tpu.memory_space<semaphore_mem>>) src(%dma_wait3A_432 : memref<256x128xf32, #tpu.memory_space<hbm>>) dst(%dma_wait3A_429 : memref<256x128xf32, #tpu.memory_space<vmem>>)
      %mul3A_433 = arith.constant 4 : i32
      %mul3A_434 = arith.muli %add3A_336, %mul3A_433 : i32
      %add3A_435 = arith.addi %mul3A_2, %mul3A_434 : i32
      %add3A_436 = arith.constant 0 : i32
      %add3A_437 = arith.addi %add3A_435, %add3A_436 : i32
      %dma_start3A_438 = arith.constant 1 : i32
      %dma_start3A_439 = arith.constant 0 : i32
      %dma_start3A_440 = arith.constant 0 : i32
      %dma_start3A_441 = tpu.memref_slice %arg6[%dma_start3A_438, %dma_start3A_439, %dma_start3A_440] : memref<2x256x128xf32, #tpu.memory_space<vmem>> -> memref<1x56x128xf32, #tpu.memory_space<vmem>>
      %dma_start3A_442 = tpu.memref_squeeze %dma_start3A_441 : memref<1x56x128xf32, #tpu.memory_space<vmem>> -> memref<56x128xf32, #tpu.memory_space<vmem>>
      %dma_start3A_443 = arith.constant 0 : i32
      %dma_start3A_444 = arith.constant 0 : i32
      %dma_start3A_445 = tpu.memref_slice %arg4[%add3A_437, %dma_start3A_443, %dma_start3A_444] : memref<16384x56x128xf32, #tpu.memory_space<hbm>> -> memref<1x56x128xf32, #tpu.memory_space<hbm>>
      %dma_start3A_446 = tpu.memref_squeeze %dma_start3A_445 : memref<1x56x128xf32, #tpu.memory_space<hbm>> -> memref<56x128xf32, #tpu.memory_space<hbm>>
      %dma_start3A_447 = arith.constant 0 : i32
      %dma_start3A_448 = arith.constant 0 : i32
      %dma_start3A_449 = tpu.memref_slice %arg4[%add3A_437, %dma_start3A_447, %dma_start3A_448] : memref<16384x56x128xf32, #tpu.memory_space<hbm>> -> memref<1x56x128xf32, #tpu.memory_space<hbm>>
      %dma_start3A_450 = tpu.memref_squeeze %dma_start3A_449 : memref<1x56x128xf32, #tpu.memory_space<hbm>> -> memref<56x128xf32, #tpu.memory_space<hbm>>
      %dma_start3A_451 = arith.constant 0 : i32
      %dma_start3A_452 = arith.constant 0 : i32
      %dma_start3A_453 = tpu.memref_slice %arg6[%dma_start3A_438, %dma_start3A_451, %dma_start3A_452] : memref<2x256x128xf32, #tpu.memory_space<vmem>> -> memref<1x56x128xf32, #tpu.memory_space<vmem>>
      %dma_start3A_454 = tpu.memref_squeeze %dma_start3A_453 : memref<1x56x128xf32, #tpu.memory_space<vmem>> -> memref<56x128xf32, #tpu.memory_space<vmem>>
      tpu.enqueue_dma source(%dma_start3A_454 : memref<56x128xf32, #tpu.memory_space<vmem>>) target(%dma_start3A_450 : memref<56x128xf32, #tpu.memory_space<hbm>>) target_semaphore(%arg10 : memref<!tpu.dma_semaphore, #tpu.memory_space<semaphore_mem>>)
      %mul3A_455 = arith.constant 4 : i32
      %mul3A_456 = arith.muli %add3A_336, %mul3A_455 : i32
      %add3A_457 = arith.addi %mul3A_2, %mul3A_456 : i32
      %add3A_458 = arith.constant 1 : i32
      %add3A_459 = arith.addi %add3A_457, %add3A_458 : i32
      %dma_start3A_460 = arith.constant 1 : i32
      %dma_start3A_461 = arith.constant 64 : i32
      %dma_start3A_462 = arith.constant 0 : i32
      %dma_start3A_463 = tpu.memref_slice %arg6[%dma_start3A_460, %dma_start3A_461, %dma_start3A_462] : memref<2x256x128xf32, #tpu.memory_space<vmem>> -> memref<1x56x128xf32, #tpu.memory_space<vmem>>
      %dma_start3A_464 = tpu.memref_squeeze %dma_start3A_463 : memref<1x56x128xf32, #tpu.memory_space<vmem>> -> memref<56x128xf32, #tpu.memory_space<vmem>>
      %dma_start3A_465 = arith.constant 0 : i32
      %dma_start3A_466 = arith.constant 0 : i32
      %dma_start3A_467 = tpu.memref_slice %arg4[%add3A_459, %dma_start3A_465, %dma_start3A_466] : memref<16384x56x128xf32, #tpu.memory_space<hbm>> -> memref<1x56x128xf32, #tpu.memory_space<hbm>>
      %dma_start3A_468 = tpu.memref_squeeze %dma_start3A_467 : memref<1x56x128xf32, #tpu.memory_space<hbm>> -> memref<56x128xf32, #tpu.memory_space<hbm>>
      %dma_start3A_469 = arith.constant 0 : i32
      %dma_start3A_470 = arith.constant 0 : i32
      %dma_start3A_471 = tpu.memref_slice %arg4[%add3A_459, %dma_start3A_469, %dma_start3A_470] : memref<16384x56x128xf32, #tpu.memory_space<hbm>> -> memref<1x56x128xf32, #tpu.memory_space<hbm>>
      %dma_start3A_472 = tpu.memref_squeeze %dma_start3A_471 : memref<1x56x128xf32, #tpu.memory_space<hbm>> -> memref<56x128xf32, #tpu.memory_space<hbm>>
      %dma_start3A_473 = arith.constant 64 : i32
      %dma_start3A_474 = arith.constant 0 : i32
      %dma_start3A_475 = tpu.memref_slice %arg6[%dma_start3A_460, %dma_start3A_473, %dma_start3A_474] : memref<2x256x128xf32, #tpu.memory_space<vmem>> -> memref<1x56x128xf32, #tpu.memory_space<vmem>>
      %dma_start3A_476 = tpu.memref_squeeze %dma_start3A_475 : memref<1x56x128xf32, #tpu.memory_space<vmem>> -> memref<56x128xf32, #tpu.memory_space<vmem>>
      tpu.enqueue_dma source(%dma_start3A_476 : memref<56x128xf32, #tpu.memory_space<vmem>>) target(%dma_start3A_472 : memref<56x128xf32, #tpu.memory_space<hbm>>) target_semaphore(%arg10 : memref<!tpu.dma_semaphore, #tpu.memory_space<semaphore_mem>>)
      %mul3A_477 = arith.constant 4 : i32
      %mul3A_478 = arith.muli %add3A_336, %mul3A_477 : i32
      %add3A_479 = arith.addi %mul3A_2, %mul3A_478 : i32
      %add3A_480 = arith.constant 2 : i32
      %add3A_481 = arith.addi %add3A_479, %add3A_480 : i32
      %dma_start3A_482 = arith.constant 1 : i32
      %dma_start3A_483 = arith.constant 128 : i32
      %dma_start3A_484 = arith.constant 0 : i32
      %dma_start3A_485 = tpu.memref_slice %arg6[%dma_start3A_482, %dma_start3A_483, %dma_start3A_484] : memref<2x256x128xf32, #tpu.memory_space<vmem>> -> memref<1x56x128xf32, #tpu.memory_space<vmem>>
      %dma_start3A_486 = tpu.memref_squeeze %dma_start3A_485 : memref<1x56x128xf32, #tpu.memory_space<vmem>> -> memref<56x128xf32, #tpu.memory_space<vmem>>
      %dma_start3A_487 = arith.constant 0 : i32
      %dma_start3A_488 = arith.constant 0 : i32
      %dma_start3A_489 = tpu.memref_slice %arg4[%add3A_481, %dma_start3A_487, %dma_start3A_488] : memref<16384x56x128xf32, #tpu.memory_space<hbm>> -> memref<1x56x128xf32, #tpu.memory_space<hbm>>
      %dma_start3A_490 = tpu.memref_squeeze %dma_start3A_489 : memref<1x56x128xf32, #tpu.memory_space<hbm>> -> memref<56x128xf32, #tpu.memory_space<hbm>>
      %dma_start3A_491 = arith.constant 0 : i32
      %dma_start3A_492 = arith.constant 0 : i32
      %dma_start3A_493 = tpu.memref_slice %arg4[%add3A_481, %dma_start3A_491, %dma_start3A_492] : memref<16384x56x128xf32, #tpu.memory_space<hbm>> -> memref<1x56x128xf32, #tpu.memory_space<hbm>>
      %dma_start3A_494 = tpu.memref_squeeze %dma_start3A_493 : memref<1x56x128xf32, #tpu.memory_space<hbm>> -> memref<56x128xf32, #tpu.memory_space<hbm>>
      %dma_start3A_495 = arith.constant 128 : i32
      %dma_start3A_496 = arith.constant 0 : i32
      %dma_start3A_497 = tpu.memref_slice %arg6[%dma_start3A_482, %dma_start3A_495, %dma_start3A_496] : memref<2x256x128xf32, #tpu.memory_space<vmem>> -> memref<1x56x128xf32, #tpu.memory_space<vmem>>
      %dma_start3A_498 = tpu.memref_squeeze %dma_start3A_497 : memref<1x56x128xf32, #tpu.memory_space<vmem>> -> memref<56x128xf32, #tpu.memory_space<vmem>>
      tpu.enqueue_dma source(%dma_start3A_498 : memref<56x128xf32, #tpu.memory_space<vmem>>) target(%dma_start3A_494 : memref<56x128xf32, #tpu.memory_space<hbm>>) target_semaphore(%arg10 : memref<!tpu.dma_semaphore, #tpu.memory_space<semaphore_mem>>)
      %mul3A_499 = arith.constant 4 : i32
      %mul3A_500 = arith.muli %add3A_336, %mul3A_499 : i32
      %add3A_501 = arith.addi %mul3A_2, %mul3A_500 : i32
      %add3A_502 = arith.constant 3 : i32
      %add3A_503 = arith.addi %add3A_501, %add3A_502 : i32
      %dma_start3A_504 = arith.constant 1 : i32
      %dma_start3A_505 = arith.constant 192 : i32
      %dma_start3A_506 = arith.constant 0 : i32
      %dma_start3A_507 = tpu.memref_slice %arg6[%dma_start3A_504, %dma_start3A_505, %dma_start3A_506] : memref<2x256x128xf32, #tpu.memory_space<vmem>> -> memref<1x56x128xf32, #tpu.memory_space<vmem>>
      %dma_start3A_508 = tpu.memref_squeeze %dma_start3A_507 : memref<1x56x128xf32, #tpu.memory_space<vmem>> -> memref<56x128xf32, #tpu.memory_space<vmem>>
      %dma_start3A_509 = arith.constant 0 : i32
      %dma_start3A_510 = arith.constant 0 : i32
      %dma_start3A_511 = tpu.memref_slice %arg4[%add3A_503, %dma_start3A_509, %dma_start3A_510] : memref<16384x56x128xf32, #tpu.memory_space<hbm>> -> memref<1x56x128xf32, #tpu.memory_space<hbm>>
      %dma_start3A_512 = tpu.memref_squeeze %dma_start3A_511 : memref<1x56x128xf32, #tpu.memory_space<hbm>> -> memref<56x128xf32, #tpu.memory_space<hbm>>
      %dma_start3A_513 = arith.constant 0 : i32
      %dma_start3A_514 = arith.constant 0 : i32
      %dma_start3A_515 = tpu.memref_slice %arg4[%add3A_503, %dma_start3A_513, %dma_start3A_514] : memref<16384x56x128xf32, #tpu.memory_space<hbm>> -> memref<1x56x128xf32, #tpu.memory_space<hbm>>
      %dma_start3A_516 = tpu.memref_squeeze %dma_start3A_515 : memref<1x56x128xf32, #tpu.memory_space<hbm>> -> memref<56x128xf32, #tpu.memory_space<hbm>>
      %dma_start3A_517 = arith.constant 192 : i32
      %dma_start3A_518 = arith.constant 0 : i32
      %dma_start3A_519 = tpu.memref_slice %arg6[%dma_start3A_504, %dma_start3A_517, %dma_start3A_518] : memref<2x256x128xf32, #tpu.memory_space<vmem>> -> memref<1x56x128xf32, #tpu.memory_space<vmem>>
      %dma_start3A_520 = tpu.memref_squeeze %dma_start3A_519 : memref<1x56x128xf32, #tpu.memory_space<vmem>> -> memref<56x128xf32, #tpu.memory_space<vmem>>
      tpu.enqueue_dma source(%dma_start3A_520 : memref<56x128xf32, #tpu.memory_space<vmem>>) target(%dma_start3A_516 : memref<56x128xf32, #tpu.memory_space<hbm>>) target_semaphore(%arg10 : memref<!tpu.dma_semaphore, #tpu.memory_space<semaphore_mem>>)
      %dma_wait3A_521 = arith.constant 1 : i32
      %dma_wait3A_522 = arith.constant 0 : i32
      %dma_wait3A_523 = arith.constant 0 : i32
      %dma_wait3A_524 = tpu.memref_slice %arg6[%dma_wait3A_521, %dma_wait3A_522, %dma_wait3A_523] : memref<2x256x128xf32, #tpu.memory_space<vmem>> -> memref<1x224x128xf32, #tpu.memory_space<vmem>>
      %dma_wait3A_525 = tpu.memref_squeeze %dma_wait3A_524 : memref<1x224x128xf32, #tpu.memory_space<vmem>> -> memref<224x128xf32, #tpu.memory_space<vmem>>
      %dma_wait3A_526 = arith.constant 0 : i32
      %dma_wait3A_527 = arith.constant 0 : i32
      %dma_wait3A_528 = tpu.memref_slice %arg3[%dma_wait3A_526, %dma_wait3A_527] : memref<1000000x128xf32, #tpu.memory_space<hbm>> -> memref<224x128xf32, #tpu.memory_space<hbm>>
      %dma_wait3A_529 = arith.constant 0 : i32
      %dma_wait3A_530 = arith.constant 0 : i32
      %dma_wait3A_531 = tpu.memref_slice %arg6[%dma_wait3A_521, %dma_wait3A_529, %dma_wait3A_530] : memref<2x256x128xf32, #tpu.memory_space<vmem>> -> memref<1x224x128xf32, #tpu.memory_space<vmem>>
      %dma_wait3A_532 = tpu.memref_squeeze %dma_wait3A_531 : memref<1x224x128xf32, #tpu.memory_space<vmem>> -> memref<224x128xf32, #tpu.memory_space<vmem>>
      %dma_wait3A_533 = arith.constant 0 : i32
      %dma_wait3A_534 = arith.constant 0 : i32
      %dma_wait3A_535 = tpu.memref_slice %arg3[%dma_wait3A_533, %dma_wait3A_534] : memref<1000000x128xf32, #tpu.memory_space<hbm>> -> memref<224x128xf32, #tpu.memory_space<hbm>>
      tpu.wait_dma2 semaphore(%arg10 : memref<!tpu.dma_semaphore, #tpu.memory_space<semaphore_mem>>) src(%dma_wait3A_535 : memref<224x128xf32, #tpu.memory_space<hbm>>) dst(%dma_wait3A_532 : memref<224x128xf32, #tpu.memory_space<vmem>>)
      %add3A_536 = arith.constant 1 : i32
      %add3A_537 = arith.addi %add3A_340, %add3A_536 : i32
      %mul3A_538 = arith.constant 4 : i32
      %mul3A_539 = arith.muli %add3A_537, %mul3A_538 : i32
      %add3A_540 = arith.constant 0 : i32
      %add3A_541 = arith.addi %mul3A_539, %add3A_540 : i32
      %dma_start3A_542 = arith.constant 1 : i32
      %dma_start3A_543 = arith.constant 0 : i32
      %dma_start3A_544 = arith.constant 0 : i32
      %dma_start3A_545 = tpu.memref_slice %arg6[%dma_start3A_542, %dma_start3A_543, %dma_start3A_544] : memref<2x256x128xf32, #tpu.memory_space<vmem>> -> memref<1x64x128xf32, #tpu.memory_space<vmem>>
      %dma_start3A_546 = tpu.memref_squeeze %dma_start3A_545 : memref<1x64x128xf32, #tpu.memory_space<vmem>> -> memref<64x128xf32, #tpu.memory_space<vmem>>
      %dma_start3A_547 = arith.constant 0 : i32
      %dma_start3A_548 = tpu.memref_slice %arg5[%add3A_541, %dma_start3A_547] : memref<512x64xi32, #tpu.memory_space<vmem>> -> memref<1x64xi32, #tpu.memory_space<vmem>>
      %dma_start3A_549 = tpu.memref_squeeze %dma_start3A_548 : memref<1x64xi32, #tpu.memory_space<vmem>> -> memref<64xi32, #tpu.memory_space<vmem>>
      %dma_start3A_550 = arith.constant 0 : i32
      %dma_start3A_551 = arith.constant 0 : i32
      %dma_start3A_552 = tpu.memref_slice %arg3[%dma_start3A_550, %dma_start3A_551] : memref<1000000x128xf32, #tpu.memory_space<hbm>> -> memref<1000000x128xf32, #tpu.memory_space<hbm>>
      tpu.enqueue_indirect_dma source(%dma_start3A_552 : memref<1000000x128xf32, #tpu.memory_space<hbm>>) target(%dma_start3A_546 : memref<64x128xf32, #tpu.memory_space<vmem>>) offsets(%dma_start3A_549 : memref<64xi32, #tpu.memory_space<vmem>>) semaphore(%arg8 : memref<!tpu.dma_semaphore, #tpu.memory_space<semaphore_mem>>)
      %mul3A_553 = arith.constant 4 : i32
      %mul3A_554 = arith.muli %add3A_537, %mul3A_553 : i32
      %add3A_555 = arith.constant 1 : i32
      %add3A_556 = arith.addi %mul3A_554, %add3A_555 : i32
      %dma_start3A_557 = arith.constant 1 : i32
      %dma_start3A_558 = arith.constant 64 : i32
      %dma_start3A_559 = arith.constant 0 : i32
      %dma_start3A_560 = tpu.memref_slice %arg6[%dma_start3A_557, %dma_start3A_558, %dma_start3A_559] : memref<2x256x128xf32, #tpu.memory_space<vmem>> -> memref<1x64x128xf32, #tpu.memory_space<vmem>>
      %dma_start3A_561 = tpu.memref_squeeze %dma_start3A_560 : memref<1x64x128xf32, #tpu.memory_space<vmem>> -> memref<64x128xf32, #tpu.memory_space<vmem>>
      %dma_start3A_562 = arith.constant 0 : i32
      %dma_start3A_563 = tpu.memref_slice %arg5[%add3A_556, %dma_start3A_562] : memref<512x64xi32, #tpu.memory_space<vmem>> -> memref<1x64xi32, #tpu.memory_space<vmem>>
      %dma_start3A_564 = tpu.memref_squeeze %dma_start3A_563 : memref<1x64xi32, #tpu.memory_space<vmem>> -> memref<64xi32, #tpu.memory_space<vmem>>
      %dma_start3A_565 = arith.constant 0 : i32
      %dma_start3A_566 = arith.constant 0 : i32
      %dma_start3A_567 = tpu.memref_slice %arg3[%dma_start3A_565, %dma_start3A_566] : memref<1000000x128xf32, #tpu.memory_space<hbm>> -> memref<1000000x128xf32, #tpu.memory_space<hbm>>
      tpu.enqueue_indirect_dma source(%dma_start3A_567 : memref<1000000x128xf32, #tpu.memory_space<hbm>>) target(%dma_start3A_561 : memref<64x128xf32, #tpu.memory_space<vmem>>) offsets(%dma_start3A_564 : memref<64xi32, #tpu.memory_space<vmem>>) semaphore(%arg8 : memref<!tpu.dma_semaphore, #tpu.memory_space<semaphore_mem>>)
      %mul3A_568 = arith.constant 4 : i32
      %mul3A_569 = arith.muli %add3A_537, %mul3A_568 : i32
      %add3A_570 = arith.constant 2 : i32
      %add3A_571 = arith.addi %mul3A_569, %add3A_570 : i32
      %dma_start3A_572 = arith.constant 1 : i32
      %dma_start3A_573 = arith.constant 128 : i32
      %dma_start3A_574 = arith.constant 0 : i32
      %dma_start3A_575 = tpu.memref_slice %arg6[%dma_start3A_572, %dma_start3A_573, %dma_start3A_574] : memref<2x256x128xf32, #tpu.memory_space<vmem>> -> memref<1x64x128xf32, #tpu.memory_space<vmem>>
      %dma_start3A_576 = tpu.memref_squeeze %dma_start3A_575 : memref<1x64x128xf32, #tpu.memory_space<vmem>> -> memref<64x128xf32, #tpu.memory_space<vmem>>
      %dma_start3A_577 = arith.constant 0 : i32
      %dma_start3A_578 = tpu.memref_slice %arg5[%add3A_571, %dma_start3A_577] : memref<512x64xi32, #tpu.memory_space<vmem>> -> memref<1x64xi32, #tpu.memory_space<vmem>>
      %dma_start3A_579 = tpu.memref_squeeze %dma_start3A_578 : memref<1x64xi32, #tpu.memory_space<vmem>> -> memref<64xi32, #tpu.memory_space<vmem>>
      %dma_start3A_580 = arith.constant 0 : i32
      %dma_start3A_581 = arith.constant 0 : i32
      %dma_start3A_582 = tpu.memref_slice %arg3[%dma_start3A_580, %dma_start3A_581] : memref<1000000x128xf32, #tpu.memory_space<hbm>> -> memref<1000000x128xf32, #tpu.memory_space<hbm>>
      tpu.enqueue_indirect_dma source(%dma_start3A_582 : memref<1000000x128xf32, #tpu.memory_space<hbm>>) target(%dma_start3A_576 : memref<64x128xf32, #tpu.memory_space<vmem>>) offsets(%dma_start3A_579 : memref<64xi32, #tpu.memory_space<vmem>>) semaphore(%arg8 : memref<!tpu.dma_semaphore, #tpu.memory_space<semaphore_mem>>)
      %mul3A_583 = arith.constant 4 : i32
      %mul3A_584 = arith.muli %add3A_537, %mul3A_583 : i32
      %add3A_585 = arith.constant 3 : i32
      %add3A_586 = arith.addi %mul3A_584, %add3A_585 : i32
      %dma_start3A_587 = arith.constant 1 : i32
      %dma_start3A_588 = arith.constant 192 : i32
      %dma_start3A_589 = arith.constant 0 : i32
      %dma_start3A_590 = tpu.memref_slice %arg6[%dma_start3A_587, %dma_start3A_588, %dma_start3A_589] : memref<2x256x128xf32, #tpu.memory_space<vmem>> -> memref<1x64x128xf32, #tpu.memory_space<vmem>>
      %dma_start3A_591 = tpu.memref_squeeze %dma_start3A_590 : memref<1x64x128xf32, #tpu.memory_space<vmem>> -> memref<64x128xf32, #tpu.memory_space<vmem>>
      %dma_start3A_592 = arith.constant 0 : i32
      %dma_start3A_593 = tpu.memref_slice %arg5[%add3A_586, %dma_start3A_592] : memref<512x64xi32, #tpu.memory_space<vmem>> -> memref<1x64xi32, #tpu.memory_space<vmem>>
      %dma_start3A_594 = tpu.memref_squeeze %dma_start3A_593 : memref<1x64xi32, #tpu.memory_space<vmem>> -> memref<64xi32, #tpu.memory_space<vmem>>
      %dma_start3A_595 = arith.constant 0 : i32
      %dma_start3A_596 = arith.constant 0 : i32
      %dma_start3A_597 = tpu.memref_slice %arg3[%dma_start3A_595, %dma_start3A_596] : memref<1000000x128xf32, #tpu.memory_space<hbm>> -> memref<1000000x128xf32, #tpu.memory_space<hbm>>
      tpu.enqueue_indirect_dma source(%dma_start3A_597 : memref<1000000x128xf32, #tpu.memory_space<hbm>>) target(%dma_start3A_591 : memref<64x128xf32, #tpu.memory_space<vmem>>) offsets(%dma_start3A_594 : memref<64xi32, #tpu.memory_space<vmem>>) semaphore(%arg8 : memref<!tpu.dma_semaphore, #tpu.memory_space<semaphore_mem>>)
      %dma_wait3A_598 = arith.constant 0 : i32
      %dma_wait3A_599 = arith.constant 0 : i32
      %dma_wait3A_600 = arith.constant 0 : i32
      %dma_wait3A_601 = tpu.memref_slice %arg6[%dma_wait3A_598, %dma_wait3A_599, %dma_wait3A_600] : memref<2x256x128xf32, #tpu.memory_space<vmem>> -> memref<1x256x128xf32, #tpu.memory_space<vmem>>
      %dma_wait3A_602 = tpu.memref_squeeze %dma_wait3A_601 : memref<1x256x128xf32, #tpu.memory_space<vmem>> -> memref<256x128xf32, #tpu.memory_space<vmem>>
      %dma_wait3A_603 = arith.constant 0 : i32
      %dma_wait3A_604 = arith.constant 0 : i32
      %dma_wait3A_605 = tpu.memref_slice %arg3[%dma_wait3A_603, %dma_wait3A_604] : memref<1000000x128xf32, #tpu.memory_space<hbm>> -> memref<256x128xf32, #tpu.memory_space<hbm>>
      %dma_wait3A_606 = arith.constant 0 : i32
      %dma_wait3A_607 = arith.constant 0 : i32
      %dma_wait3A_608 = tpu.memref_slice %arg6[%dma_wait3A_598, %dma_wait3A_606, %dma_wait3A_607] : memref<2x256x128xf32, #tpu.memory_space<vmem>> -> memref<1x256x128xf32, #tpu.memory_space<vmem>>
      %dma_wait3A_609 = tpu.memref_squeeze %dma_wait3A_608 : memref<1x256x128xf32, #tpu.memory_space<vmem>> -> memref<256x128xf32, #tpu.memory_space<vmem>>
      %dma_wait3A_610 = arith.constant 0 : i32
      %dma_wait3A_611 = arith.constant 0 : i32
      %dma_wait3A_612 = tpu.memref_slice %arg3[%dma_wait3A_610, %dma_wait3A_611] : memref<1000000x128xf32, #tpu.memory_space<hbm>> -> memref<256x128xf32, #tpu.memory_space<hbm>>
      tpu.wait_dma2 semaphore(%arg7 : memref<!tpu.dma_semaphore, #tpu.memory_space<semaphore_mem>>) src(%dma_wait3A_612 : memref<256x128xf32, #tpu.memory_space<hbm>>) dst(%dma_wait3A_609 : memref<256x128xf32, #tpu.memory_space<vmem>>)
      %mul3A_613 = arith.constant 4 : i32
      %mul3A_614 = arith.muli %add3A_340, %mul3A_613 : i32
      %add3A_615 = arith.addi %mul3A_2, %mul3A_614 : i32
      %add3A_616 = arith.constant 0 : i32
      %add3A_617 = arith.addi %add3A_615, %add3A_616 : i32
      %dma_start3A_618 = arith.constant 0 : i32
      %dma_start3A_619 = arith.constant 0 : i32
      %dma_start3A_620 = arith.constant 0 : i32
      %dma_start3A_621 = tpu.memref_slice %arg6[%dma_start3A_618, %dma_start3A_619, %dma_start3A_620] : memref<2x256x128xf32, #tpu.memory_space<vmem>> -> memref<1x56x128xf32, #tpu.memory_space<vmem>>
      %dma_start3A_622 = tpu.memref_squeeze %dma_start3A_621 : memref<1x56x128xf32, #tpu.memory_space<vmem>> -> memref<56x128xf32, #tpu.memory_space<vmem>>
      %dma_start3A_623 = arith.constant 0 : i32
      %dma_start3A_624 = arith.constant 0 : i32
      %dma_start3A_625 = tpu.memref_slice %arg4[%add3A_617, %dma_start3A_623, %dma_start3A_624] : memref<16384x56x128xf32, #tpu.memory_space<hbm>> -> memref<1x56x128xf32, #tpu.memory_space<hbm>>
      %dma_start3A_626 = tpu.memref_squeeze %dma_start3A_625 : memref<1x56x128xf32, #tpu.memory_space<hbm>> -> memref<56x128xf32, #tpu.memory_space<hbm>>
      %dma_start3A_627 = arith.constant 0 : i32
      %dma_start3A_628 = arith.constant 0 : i32
      %dma_start3A_629 = tpu.memref_slice %arg4[%add3A_617, %dma_start3A_627, %dma_start3A_628] : memref<16384x56x128xf32, #tpu.memory_space<hbm>> -> memref<1x56x128xf32, #tpu.memory_space<hbm>>
      %dma_start3A_630 = tpu.memref_squeeze %dma_start3A_629 : memref<1x56x128xf32, #tpu.memory_space<hbm>> -> memref<56x128xf32, #tpu.memory_space<hbm>>
      %dma_start3A_631 = arith.constant 0 : i32
      %dma_start3A_632 = arith.constant 0 : i32
      %dma_start3A_633 = tpu.memref_slice %arg6[%dma_start3A_618, %dma_start3A_631, %dma_start3A_632] : memref<2x256x128xf32, #tpu.memory_space<vmem>> -> memref<1x56x128xf32, #tpu.memory_space<vmem>>
      %dma_start3A_634 = tpu.memref_squeeze %dma_start3A_633 : memref<1x56x128xf32, #tpu.memory_space<vmem>> -> memref<56x128xf32, #tpu.memory_space<vmem>>
      tpu.enqueue_dma source(%dma_start3A_634 : memref<56x128xf32, #tpu.memory_space<vmem>>) target(%dma_start3A_630 : memref<56x128xf32, #tpu.memory_space<hbm>>) target_semaphore(%arg9 : memref<!tpu.dma_semaphore, #tpu.memory_space<semaphore_mem>>)
      %mul3A_635 = arith.constant 4 : i32
      %mul3A_636 = arith.muli %add3A_340, %mul3A_635 : i32
      %add3A_637 = arith.addi %mul3A_2, %mul3A_636 : i32
      %add3A_638 = arith.constant 1 : i32
      %add3A_639 = arith.addi %add3A_637, %add3A_638 : i32
      %dma_start3A_640 = arith.constant 0 : i32
      %dma_start3A_641 = arith.constant 64 : i32
      %dma_start3A_642 = arith.constant 0 : i32
      %dma_start3A_643 = tpu.memref_slice %arg6[%dma_start3A_640, %dma_start3A_641, %dma_start3A_642] : memref<2x256x128xf32, #tpu.memory_space<vmem>> -> memref<1x56x128xf32, #tpu.memory_space<vmem>>
      %dma_start3A_644 = tpu.memref_squeeze %dma_start3A_643 : memref<1x56x128xf32, #tpu.memory_space<vmem>> -> memref<56x128xf32, #tpu.memory_space<vmem>>
      %dma_start3A_645 = arith.constant 0 : i32
      %dma_start3A_646 = arith.constant 0 : i32
      %dma_start3A_647 = tpu.memref_slice %arg4[%add3A_639, %dma_start3A_645, %dma_start3A_646] : memref<16384x56x128xf32, #tpu.memory_space<hbm>> -> memref<1x56x128xf32, #tpu.memory_space<hbm>>
      %dma_start3A_648 = tpu.memref_squeeze %dma_start3A_647 : memref<1x56x128xf32, #tpu.memory_space<hbm>> -> memref<56x128xf32, #tpu.memory_space<hbm>>
      %dma_start3A_649 = arith.constant 0 : i32
      %dma_start3A_650 = arith.constant 0 : i32
      %dma_start3A_651 = tpu.memref_slice %arg4[%add3A_639, %dma_start3A_649, %dma_start3A_650] : memref<16384x56x128xf32, #tpu.memory_space<hbm>> -> memref<1x56x128xf32, #tpu.memory_space<hbm>>
      %dma_start3A_652 = tpu.memref_squeeze %dma_start3A_651 : memref<1x56x128xf32, #tpu.memory_space<hbm>> -> memref<56x128xf32, #tpu.memory_space<hbm>>
      %dma_start3A_653 = arith.constant 64 : i32
      %dma_start3A_654 = arith.constant 0 : i32
      %dma_start3A_655 = tpu.memref_slice %arg6[%dma_start3A_640, %dma_start3A_653, %dma_start3A_654] : memref<2x256x128xf32, #tpu.memory_space<vmem>> -> memref<1x56x128xf32, #tpu.memory_space<vmem>>
      %dma_start3A_656 = tpu.memref_squeeze %dma_start3A_655 : memref<1x56x128xf32, #tpu.memory_space<vmem>> -> memref<56x128xf32, #tpu.memory_space<vmem>>
      tpu.enqueue_dma source(%dma_start3A_656 : memref<56x128xf32, #tpu.memory_space<vmem>>) target(%dma_start3A_652 : memref<56x128xf32, #tpu.memory_space<hbm>>) target_semaphore(%arg9 : memref<!tpu.dma_semaphore, #tpu.memory_space<semaphore_mem>>)
      %mul3A_657 = arith.constant 4 : i32
      %mul3A_658 = arith.muli %add3A_340, %mul3A_657 : i32
      %add3A_659 = arith.addi %mul3A_2, %mul3A_658 : i32
      %add3A_660 = arith.constant 2 : i32
      %add3A_661 = arith.addi %add3A_659, %add3A_660 : i32
      %dma_start3A_662 = arith.constant 0 : i32
      %dma_start3A_663 = arith.constant 128 : i32
      %dma_start3A_664 = arith.constant 0 : i32
      %dma_start3A_665 = tpu.memref_slice %arg6[%dma_start3A_662, %dma_start3A_663, %dma_start3A_664] : memref<2x256x128xf32, #tpu.memory_space<vmem>> -> memref<1x56x128xf32, #tpu.memory_space<vmem>>
      %dma_start3A_666 = tpu.memref_squeeze %dma_start3A_665 : memref<1x56x128xf32, #tpu.memory_space<vmem>> -> memref<56x128xf32, #tpu.memory_space<vmem>>
      %dma_start3A_667 = arith.constant 0 : i32
      %dma_start3A_668 = arith.constant 0 : i32
      %dma_start3A_669 = tpu.memref_slice %arg4[%add3A_661, %dma_start3A_667, %dma_start3A_668] : memref<16384x56x128xf32, #tpu.memory_space<hbm>> -> memref<1x56x128xf32, #tpu.memory_space<hbm>>
      %dma_start3A_670 = tpu.memref_squeeze %dma_start3A_669 : memref<1x56x128xf32, #tpu.memory_space<hbm>> -> memref<56x128xf32, #tpu.memory_space<hbm>>
      %dma_start3A_671 = arith.constant 0 : i32
      %dma_start3A_672 = arith.constant 0 : i32
      %dma_start3A_673 = tpu.memref_slice %arg4[%add3A_661, %dma_start3A_671, %dma_start3A_672] : memref<16384x56x128xf32, #tpu.memory_space<hbm>> -> memref<1x56x128xf32, #tpu.memory_space<hbm>>
      %dma_start3A_674 = tpu.memref_squeeze %dma_start3A_673 : memref<1x56x128xf32, #tpu.memory_space<hbm>> -> memref<56x128xf32, #tpu.memory_space<hbm>>
      %dma_start3A_675 = arith.constant 128 : i32
      %dma_start3A_676 = arith.constant 0 : i32
      %dma_start3A_677 = tpu.memref_slice %arg6[%dma_start3A_662, %dma_start3A_675, %dma_start3A_676] : memref<2x256x128xf32, #tpu.memory_space<vmem>> -> memref<1x56x128xf32, #tpu.memory_space<vmem>>
      %dma_start3A_678 = tpu.memref_squeeze %dma_start3A_677 : memref<1x56x128xf32, #tpu.memory_space<vmem>> -> memref<56x128xf32, #tpu.memory_space<vmem>>
      tpu.enqueue_dma source(%dma_start3A_678 : memref<56x128xf32, #tpu.memory_space<vmem>>) target(%dma_start3A_674 : memref<56x128xf32, #tpu.memory_space<hbm>>) target_semaphore(%arg9 : memref<!tpu.dma_semaphore, #tpu.memory_space<semaphore_mem>>)
      %mul3A_679 = arith.constant 4 : i32
      %mul3A_680 = arith.muli %add3A_340, %mul3A_679 : i32
      %add3A_681 = arith.addi %mul3A_2, %mul3A_680 : i32
      %add3A_682 = arith.constant 3 : i32
      %add3A_683 = arith.addi %add3A_681, %add3A_682 : i32
      %dma_start3A_684 = arith.constant 0 : i32
      %dma_start3A_685 = arith.constant 192 : i32
      %dma_start3A_686 = arith.constant 0 : i32
      %dma_start3A_687 = tpu.memref_slice %arg6[%dma_start3A_684, %dma_start3A_685, %dma_start3A_686] : memref<2x256x128xf32, #tpu.memory_space<vmem>> -> memref<1x56x128xf32, #tpu.memory_space<vmem>>
      %dma_start3A_688 = tpu.memref_squeeze %dma_start3A_687 : memref<1x56x128xf32, #tpu.memory_space<vmem>> -> memref<56x128xf32, #tpu.memory_space<vmem>>
      %dma_start3A_689 = arith.constant 0 : i32
      %dma_start3A_690 = arith.constant 0 : i32
      %dma_start3A_691 = tpu.memref_slice %arg4[%add3A_683, %dma_start3A_689, %dma_start3A_690] : memref<16384x56x128xf32, #tpu.memory_space<hbm>> -> memref<1x56x128xf32, #tpu.memory_space<hbm>>
      %dma_start3A_692 = tpu.memref_squeeze %dma_start3A_691 : memref<1x56x128xf32, #tpu.memory_space<hbm>> -> memref<56x128xf32, #tpu.memory_space<hbm>>
      %dma_start3A_693 = arith.constant 0 : i32
      %dma_start3A_694 = arith.constant 0 : i32
      %dma_start3A_695 = tpu.memref_slice %arg4[%add3A_683, %dma_start3A_693, %dma_start3A_694] : memref<16384x56x128xf32, #tpu.memory_space<hbm>> -> memref<1x56x128xf32, #tpu.memory_space<hbm>>
      %dma_start3A_696 = tpu.memref_squeeze %dma_start3A_695 : memref<1x56x128xf32, #tpu.memory_space<hbm>> -> memref<56x128xf32, #tpu.memory_space<hbm>>
      %dma_start3A_697 = arith.constant 192 : i32
      %dma_start3A_698 = arith.constant 0 : i32
      %dma_start3A_699 = tpu.memref_slice %arg6[%dma_start3A_684, %dma_start3A_697, %dma_start3A_698] : memref<2x256x128xf32, #tpu.memory_space<vmem>> -> memref<1x56x128xf32, #tpu.memory_space<vmem>>
      %dma_start3A_700 = tpu.memref_squeeze %dma_start3A_699 : memref<1x56x128xf32, #tpu.memory_space<vmem>> -> memref<56x128xf32, #tpu.memory_space<vmem>>
      tpu.enqueue_dma source(%dma_start3A_700 : memref<56x128xf32, #tpu.memory_space<vmem>>) target(%dma_start3A_696 : memref<56x128xf32, #tpu.memory_space<hbm>>) target_semaphore(%arg9 : memref<!tpu.dma_semaphore, #tpu.memory_space<semaphore_mem>>)
    }
    %scan3A_202 = arith.constant 63 : i32
    %dma_wait3A_203 = arith.constant 0 : i32
    %dma_wait3A_204 = arith.constant 0 : i32
    %dma_wait3A_205 = arith.constant 0 : i32
    %dma_wait3A_206 = tpu.memref_slice %arg6[%dma_wait3A_203, %dma_wait3A_204, %dma_wait3A_205] : memref<2x256x128xf32, #tpu.memory_space<vmem>> -> memref<1x224x128xf32, #tpu.memory_space<vmem>>
    %dma_wait3A_207 = tpu.memref_squeeze %dma_wait3A_206 : memref<1x224x128xf32, #tpu.memory_space<vmem>> -> memref<224x128xf32, #tpu.memory_space<vmem>>
    %dma_wait3A_208 = arith.constant 0 : i32
    %dma_wait3A_209 = arith.constant 0 : i32
    %dma_wait3A_210 = tpu.memref_slice %arg3[%dma_wait3A_208, %dma_wait3A_209] : memref<1000000x128xf32, #tpu.memory_space<hbm>> -> memref<224x128xf32, #tpu.memory_space<hbm>>
    %dma_wait3A_211 = arith.constant 0 : i32
    %dma_wait3A_212 = arith.constant 0 : i32
    %dma_wait3A_213 = tpu.memref_slice %arg6[%dma_wait3A_203, %dma_wait3A_211, %dma_wait3A_212] : memref<2x256x128xf32, #tpu.memory_space<vmem>> -> memref<1x224x128xf32, #tpu.memory_space<vmem>>
    %dma_wait3A_214 = tpu.memref_squeeze %dma_wait3A_213 : memref<1x224x128xf32, #tpu.memory_space<vmem>> -> memref<224x128xf32, #tpu.memory_space<vmem>>
    %dma_wait3A_215 = arith.constant 0 : i32
    %dma_wait3A_216 = arith.constant 0 : i32
    %dma_wait3A_217 = tpu.memref_slice %arg3[%dma_wait3A_215, %dma_wait3A_216] : memref<1000000x128xf32, #tpu.memory_space<hbm>> -> memref<224x128xf32, #tpu.memory_space<hbm>>
    tpu.wait_dma2 semaphore(%arg9 : memref<!tpu.dma_semaphore, #tpu.memory_space<semaphore_mem>>) src(%dma_wait3A_217 : memref<224x128xf32, #tpu.memory_space<hbm>>) dst(%dma_wait3A_214 : memref<224x128xf32, #tpu.memory_space<vmem>>)
    %dma_wait3A_218 = arith.constant 1 : i32
    %dma_wait3A_219 = arith.constant 0 : i32
    %dma_wait3A_220 = arith.constant 0 : i32
    %dma_wait3A_221 = tpu.memref_slice %arg6[%dma_wait3A_218, %dma_wait3A_219, %dma_wait3A_220] : memref<2x256x128xf32, #tpu.memory_space<vmem>> -> memref<1x256x128xf32, #tpu.memory_space<vmem>>
    %dma_wait3A_222 = tpu.memref_squeeze %dma_wait3A_221 : memref<1x256x128xf32, #tpu.memory_space<vmem>> -> memref<256x128xf32, #tpu.memory_space<vmem>>
    %dma_wait3A_223 = arith.constant 0 : i32
    %dma_wait3A_224 = arith.constant 0 : i32
    %dma_wait3A_225 = tpu.memref_slice %arg3[%dma_wait3A_223, %dma_wait3A_224] : memref<1000000x128xf32, #tpu.memory_space<hbm>> -> memref<256x128xf32, #tpu.memory_space<hbm>>
    %dma_wait3A_226 = arith.constant 0 : i32
    %dma_wait3A_227 = arith.constant 0 : i32
    %dma_wait3A_228 = tpu.memref_slice %arg6[%dma_wait3A_218, %dma_wait3A_226, %dma_wait3A_227] : memref<2x256x128xf32, #tpu.memory_space<vmem>> -> memref<1x256x128xf32, #tpu.memory_space<vmem>>
    %dma_wait3A_229 = tpu.memref_squeeze %dma_wait3A_228 : memref<1x256x128xf32, #tpu.memory_space<vmem>> -> memref<256x128xf32, #tpu.memory_space<vmem>>
    %dma_wait3A_230 = arith.constant 0 : i32
    %dma_wait3A_231 = arith.constant 0 : i32
    %dma_wait3A_232 = tpu.memref_slice %arg3[%dma_wait3A_230, %dma_wait3A_231] : memref<1000000x128xf32, #tpu.memory_space<hbm>> -> memref<256x128xf32, #tpu.memory_space<hbm>>
    tpu.wait_dma2 semaphore(%arg8 : memref<!tpu.dma_semaphore, #tpu.memory_space<semaphore_mem>>) src(%dma_wait3A_232 : memref<256x128xf32, #tpu.memory_space<hbm>>) dst(%dma_wait3A_229 : memref<256x128xf32, #tpu.memory_space<vmem>>)
    %add3A_233 = arith.constant 508 : i32
    %add3A_234 = arith.addi %mul3A_2, %add3A_233 : i32
    %add3A_235 = arith.constant 0 : i32
    %add3A_236 = arith.addi %add3A_234, %add3A_235 : i32
    %dma_start3A_237 = arith.constant 1 : i32
    %dma_start3A_238 = arith.constant 0 : i32
    %dma_start3A_239 = arith.constant 0 : i32
    %dma_start3A_240 = tpu.memref_slice %arg6[%dma_start3A_237, %dma_start3A_238, %dma_start3A_239] : memref<2x256x128xf32, #tpu.memory_space<vmem>> -> memref<1x56x128xf32, #tpu.memory_space<vmem>>
    %dma_start3A_241 = tpu.memref_squeeze %dma_start3A_240 : memref<1x56x128xf32, #tpu.memory_space<vmem>> -> memref<56x128xf32, #tpu.memory_space<vmem>>
    %dma_start3A_242 = arith.constant 0 : i32
    %dma_start3A_243 = arith.constant 0 : i32
    %dma_start3A_244 = tpu.memref_slice %arg4[%add3A_236, %dma_start3A_242, %dma_start3A_243] : memref<16384x56x128xf32, #tpu.memory_space<hbm>> -> memref<1x56x128xf32, #tpu.memory_space<hbm>>
    %dma_start3A_245 = tpu.memref_squeeze %dma_start3A_244 : memref<1x56x128xf32, #tpu.memory_space<hbm>> -> memref<56x128xf32, #tpu.memory_space<hbm>>
    %dma_start3A_246 = arith.constant 0 : i32
    %dma_start3A_247 = arith.constant 0 : i32
    %dma_start3A_248 = tpu.memref_slice %arg4[%add3A_236, %dma_start3A_246, %dma_start3A_247] : memref<16384x56x128xf32, #tpu.memory_space<hbm>> -> memref<1x56x128xf32, #tpu.memory_space<hbm>>
    %dma_start3A_249 = tpu.memref_squeeze %dma_start3A_248 : memref<1x56x128xf32, #tpu.memory_space<hbm>> -> memref<56x128xf32, #tpu.memory_space<hbm>>
    %dma_start3A_250 = arith.constant 0 : i32
    %dma_start3A_251 = arith.constant 0 : i32
    %dma_start3A_252 = tpu.memref_slice %arg6[%dma_start3A_237, %dma_start3A_250, %dma_start3A_251] : memref<2x256x128xf32, #tpu.memory_space<vmem>> -> memref<1x56x128xf32, #tpu.memory_space<vmem>>
    %dma_start3A_253 = tpu.memref_squeeze %dma_start3A_252 : memref<1x56x128xf32, #tpu.memory_space<vmem>> -> memref<56x128xf32, #tpu.memory_space<vmem>>
    tpu.enqueue_dma source(%dma_start3A_253 : memref<56x128xf32, #tpu.memory_space<vmem>>) target(%dma_start3A_249 : memref<56x128xf32, #tpu.memory_space<hbm>>) target_semaphore(%arg10 : memref<!tpu.dma_semaphore, #tpu.memory_space<semaphore_mem>>)
    %add3A_254 = arith.constant 508 : i32
    %add3A_255 = arith.addi %mul3A_2, %add3A_254 : i32
    %add3A_256 = arith.constant 1 : i32
    %add3A_257 = arith.addi %add3A_255, %add3A_256 : i32
    %dma_start3A_258 = arith.constant 1 : i32
    %dma_start3A_259 = arith.constant 64 : i32
    %dma_start3A_260 = arith.constant 0 : i32
    %dma_start3A_261 = tpu.memref_slice %arg6[%dma_start3A_258, %dma_start3A_259, %dma_start3A_260] : memref<2x256x128xf32, #tpu.memory_space<vmem>> -> memref<1x56x128xf32, #tpu.memory_space<vmem>>
    %dma_start3A_262 = tpu.memref_squeeze %dma_start3A_261 : memref<1x56x128xf32, #tpu.memory_space<vmem>> -> memref<56x128xf32, #tpu.memory_space<vmem>>
    %dma_start3A_263 = arith.constant 0 : i32
    %dma_start3A_264 = arith.constant 0 : i32
    %dma_start3A_265 = tpu.memref_slice %arg4[%add3A_257, %dma_start3A_263, %dma_start3A_264] : memref<16384x56x128xf32, #tpu.memory_space<hbm>> -> memref<1x56x128xf32, #tpu.memory_space<hbm>>
    %dma_start3A_266 = tpu.memref_squeeze %dma_start3A_265 : memref<1x56x128xf32, #tpu.memory_space<hbm>> -> memref<56x128xf32, #tpu.memory_space<hbm>>
    %dma_start3A_267 = arith.constant 0 : i32
    %dma_start3A_268 = arith.constant 0 : i32
    %dma_start3A_269 = tpu.memref_slice %arg4[%add3A_257, %dma_start3A_267, %dma_start3A_268] : memref<16384x56x128xf32, #tpu.memory_space<hbm>> -> memref<1x56x128xf32, #tpu.memory_space<hbm>>
    %dma_start3A_270 = tpu.memref_squeeze %dma_start3A_269 : memref<1x56x128xf32, #tpu.memory_space<hbm>> -> memref<56x128xf32, #tpu.memory_space<hbm>>
    %dma_start3A_271 = arith.constant 64 : i32
    %dma_start3A_272 = arith.constant 0 : i32
    %dma_start3A_273 = tpu.memref_slice %arg6[%dma_start3A_258, %dma_start3A_271, %dma_start3A_272] : memref<2x256x128xf32, #tpu.memory_space<vmem>> -> memref<1x56x128xf32, #tpu.memory_space<vmem>>
    %dma_start3A_274 = tpu.memref_squeeze %dma_start3A_273 : memref<1x56x128xf32, #tpu.memory_space<vmem>> -> memref<56x128xf32, #tpu.memory_space<vmem>>
    tpu.enqueue_dma source(%dma_start3A_274 : memref<56x128xf32, #tpu.memory_space<vmem>>) target(%dma_start3A_270 : memref<56x128xf32, #tpu.memory_space<hbm>>) target_semaphore(%arg10 : memref<!tpu.dma_semaphore, #tpu.memory_space<semaphore_mem>>)
    %add3A_275 = arith.constant 508 : i32
    %add3A_276 = arith.addi %mul3A_2, %add3A_275 : i32
    %add3A_277 = arith.constant 2 : i32
    %add3A_278 = arith.addi %add3A_276, %add3A_277 : i32
    %dma_start3A_279 = arith.constant 1 : i32
    %dma_start3A_280 = arith.constant 128 : i32
    %dma_start3A_281 = arith.constant 0 : i32
    %dma_start3A_282 = tpu.memref_slice %arg6[%dma_start3A_279, %dma_start3A_280, %dma_start3A_281] : memref<2x256x128xf32, #tpu.memory_space<vmem>> -> memref<1x56x128xf32, #tpu.memory_space<vmem>>
    %dma_start3A_283 = tpu.memref_squeeze %dma_start3A_282 : memref<1x56x128xf32, #tpu.memory_space<vmem>> -> memref<56x128xf32, #tpu.memory_space<vmem>>
    %dma_start3A_284 = arith.constant 0 : i32
    %dma_start3A_285 = arith.constant 0 : i32
    %dma_start3A_286 = tpu.memref_slice %arg4[%add3A_278, %dma_start3A_284, %dma_start3A_285] : memref<16384x56x128xf32, #tpu.memory_space<hbm>> -> memref<1x56x128xf32, #tpu.memory_space<hbm>>
    %dma_start3A_287 = tpu.memref_squeeze %dma_start3A_286 : memref<1x56x128xf32, #tpu.memory_space<hbm>> -> memref<56x128xf32, #tpu.memory_space<hbm>>
    %dma_start3A_288 = arith.constant 0 : i32
    %dma_start3A_289 = arith.constant 0 : i32
    %dma_start3A_290 = tpu.memref_slice %arg4[%add3A_278, %dma_start3A_288, %dma_start3A_289] : memref<16384x56x128xf32, #tpu.memory_space<hbm>> -> memref<1x56x128xf32, #tpu.memory_space<hbm>>
    %dma_start3A_291 = tpu.memref_squeeze %dma_start3A_290 : memref<1x56x128xf32, #tpu.memory_space<hbm>> -> memref<56x128xf32, #tpu.memory_space<hbm>>
    %dma_start3A_292 = arith.constant 128 : i32
    %dma_start3A_293 = arith.constant 0 : i32
    %dma_start3A_294 = tpu.memref_slice %arg6[%dma_start3A_279, %dma_start3A_292, %dma_start3A_293] : memref<2x256x128xf32, #tpu.memory_space<vmem>> -> memref<1x56x128xf32, #tpu.memory_space<vmem>>
    %dma_start3A_295 = tpu.memref_squeeze %dma_start3A_294 : memref<1x56x128xf32, #tpu.memory_space<vmem>> -> memref<56x128xf32, #tpu.memory_space<vmem>>
    tpu.enqueue_dma source(%dma_start3A_295 : memref<56x128xf32, #tpu.memory_space<vmem>>) target(%dma_start3A_291 : memref<56x128xf32, #tpu.memory_space<hbm>>) target_semaphore(%arg10 : memref<!tpu.dma_semaphore, #tpu.memory_space<semaphore_mem>>)
    %add3A_296 = arith.constant 508 : i32
    %add3A_297 = arith.addi %mul3A_2, %add3A_296 : i32
    %add3A_298 = arith.constant 3 : i32
    %add3A_299 = arith.addi %add3A_297, %add3A_298 : i32
    %dma_start3A_300 = arith.constant 1 : i32
    %dma_start3A_301 = arith.constant 192 : i32
    %dma_start3A_302 = arith.constant 0 : i32
    %dma_start3A_303 = tpu.memref_slice %arg6[%dma_start3A_300, %dma_start3A_301, %dma_start3A_302] : memref<2x256x128xf32, #tpu.memory_space<vmem>> -> memref<1x56x128xf32, #tpu.memory_space<vmem>>
    %dma_start3A_304 = tpu.memref_squeeze %dma_start3A_303 : memref<1x56x128xf32, #tpu.memory_space<vmem>> -> memref<56x128xf32, #tpu.memory_space<vmem>>
    %dma_start3A_305 = arith.constant 0 : i32
    %dma_start3A_306 = arith.constant 0 : i32
    %dma_start3A_307 = tpu.memref_slice %arg4[%add3A_299, %dma_start3A_305, %dma_start3A_306] : memref<16384x56x128xf32, #tpu.memory_space<hbm>> -> memref<1x56x128xf32, #tpu.memory_space<hbm>>
    %dma_start3A_308 = tpu.memref_squeeze %dma_start3A_307 : memref<1x56x128xf32, #tpu.memory_space<hbm>> -> memref<56x128xf32, #tpu.memory_space<hbm>>
    %dma_start3A_309 = arith.constant 0 : i32
    %dma_start3A_310 = arith.constant 0 : i32
    %dma_start3A_311 = tpu.memref_slice %arg4[%add3A_299, %dma_start3A_309, %dma_start3A_310] : memref<16384x56x128xf32, #tpu.memory_space<hbm>> -> memref<1x56x128xf32, #tpu.memory_space<hbm>>
    %dma_start3A_312 = tpu.memref_squeeze %dma_start3A_311 : memref<1x56x128xf32, #tpu.memory_space<hbm>> -> memref<56x128xf32, #tpu.memory_space<hbm>>
    %dma_start3A_313 = arith.constant 192 : i32
    %dma_start3A_314 = arith.constant 0 : i32
    %dma_start3A_315 = tpu.memref_slice %arg6[%dma_start3A_300, %dma_start3A_313, %dma_start3A_314] : memref<2x256x128xf32, #tpu.memory_space<vmem>> -> memref<1x56x128xf32, #tpu.memory_space<vmem>>
    %dma_start3A_316 = tpu.memref_squeeze %dma_start3A_315 : memref<1x56x128xf32, #tpu.memory_space<vmem>> -> memref<56x128xf32, #tpu.memory_space<vmem>>
    tpu.enqueue_dma source(%dma_start3A_316 : memref<56x128xf32, #tpu.memory_space<vmem>>) target(%dma_start3A_312 : memref<56x128xf32, #tpu.memory_space<hbm>>) target_semaphore(%arg10 : memref<!tpu.dma_semaphore, #tpu.memory_space<semaphore_mem>>)
    %dma_wait3A_317 = arith.constant 1 : i32
    %dma_wait3A_318 = arith.constant 0 : i32
    %dma_wait3A_319 = arith.constant 0 : i32
    %dma_wait3A_320 = tpu.memref_slice %arg6[%dma_wait3A_317, %dma_wait3A_318, %dma_wait3A_319] : memref<2x256x128xf32, #tpu.memory_space<vmem>> -> memref<1x224x128xf32, #tpu.memory_space<vmem>>
    %dma_wait3A_321 = tpu.memref_squeeze %dma_wait3A_320 : memref<1x224x128xf32, #tpu.memory_space<vmem>> -> memref<224x128xf32, #tpu.memory_space<vmem>>
    %dma_wait3A_322 = arith.constant 0 : i32
    %dma_wait3A_323 = arith.constant 0 : i32
    %dma_wait3A_324 = tpu.memref_slice %arg3[%dma_wait3A_322, %dma_wait3A_323] : memref<1000000x128xf32, #tpu.memory_space<hbm>> -> memref<224x128xf32, #tpu.memory_space<hbm>>
    %dma_wait3A_325 = arith.constant 0 : i32
    %dma_wait3A_326 = arith.constant 0 : i32
    %dma_wait3A_327 = tpu.memref_slice %arg6[%dma_wait3A_317, %dma_wait3A_325, %dma_wait3A_326] : memref<2x256x128xf32, #tpu.memory_space<vmem>> -> memref<1x224x128xf32, #tpu.memory_space<vmem>>
    %dma_wait3A_328 = tpu.memref_squeeze %dma_wait3A_327 : memref<1x224x128xf32, #tpu.memory_space<vmem>> -> memref<224x128xf32, #tpu.memory_space<vmem>>
    %dma_wait3A_329 = arith.constant 0 : i32
    %dma_wait3A_330 = arith.constant 0 : i32
    %dma_wait3A_331 = tpu.memref_slice %arg3[%dma_wait3A_329, %dma_wait3A_330] : memref<1000000x128xf32, #tpu.memory_space<hbm>> -> memref<224x128xf32, #tpu.memory_space<hbm>>
    tpu.wait_dma2 semaphore(%arg10 : memref<!tpu.dma_semaphore, #tpu.memory_space<semaphore_mem>>) src(%dma_wait3A_331 : memref<224x128xf32, #tpu.memory_space<hbm>>) dst(%dma_wait3A_328 : memref<224x128xf32, #tpu.memory_space<vmem>>)
    return
  }
}

</mosaic_0001>

<sc_bundles>
// kernel: kernel.3.cloned.1.call-start
scs
__scs_entry_jumppad:
0x0: {  	(pc) =	sbr.rel $0x88, $3  }
0x1: {  	(tag) =	ssettag $0x0;
	lr =	simm.s32 $0x1  }
0x2: {  	[smem:$0x3F9F] =	sst lr;
	_ =	strace $0xD0000000  }
0x3: {  	_ = 	snop  }
0x4: {  	_ = 	snop  }
0x5: {  	_ = 	snop  }
0x6: {  	_ = 	snop  }
0x7: {  	_ = 	snop  }
__scs_overlays_trampoline_lowered:
0x8: {  	[smem:$0x3FAE] =	sst s0  }
0x9: {  	[smem:$0x3FAF] =	sst s1  }
0xa: {  	[smem:$0x3FB0] =	sst s2  }
0xb: {  	[smem:$0x3FB1] =	sst s3  }
0xc: {  	[smem:$0x3FB2] =	sst s4  }
0xd: {  	[smem:$0x3FB3] =	sst s5  }
0xe: {  	[smem:$0x3FB4] =	sst s6  }
0xf: {  	[smem:$0x3FB5] =	sst s7  }
0x10: {  	[smem:$0x3FB6] =	sst s8  }
0x11: {  	[smem:$0x3FB7] =	sst s9;
	s0 =	simm.s32 @!p0 $0x0  }
0x12: {  	s1 =	sld [smem:$0x3F9D];
	s0 =	simm.s32 @p0 $0x1  }
0x13: {  	[smem:$0x3FB8] =	sst s0;
	s0 =	simm.s32 @!p1 $0x0  }
0x14: {  	s2 =	sld [smem:$0x3F9C];
	s0 =	simm.s32 @p1 $0x1  }
0x15: {  	[smem:$0x3FB9] =	sst s0;
	s0 =	simm.s32 @!p2 $0x0  }
0x16: {  	s3 =	sld [smem:$0x3FDB];
	s0 =	simm.s32 @p2 $0x1  }
0x17: {  	s4 =	simm.s32 $0x1BF5;
	[smem:$0x3FBB] =	sst s0  }
0x18: {  	s0 =	sld [smem:$0x3F9E];
	_ =	swait.ge [sflag:s4], $0x0  }
0x19: {  	s7 =	sld [smem:$0x3F9F]  }
0x1a: {  	s8 =	sadd.s32 $0xFFFFE003, lr  }
0x1b: {  	s9 =	sadd.s32 $0xFFFFFEF7, lr;
	s5 =	simm.s32 $0xFFFFFFFF;
	p2 =	slt.u32 s8, $0xFFFFF086  }
0x1c: {  	p1 =	slt.u32 s9, $0xF7A;
	s5 =	simm.s32 @!p2 $0x0  }
0x1d: {  	s5 =	simm.s32 @p1 $0x1;
	p0 =	seq.s32 s7, s2  }
0x1e: {  	s7 =	smul.u32 @!p0 $0xF7A, s2;
	p2 =	seq.s32 @!p0 s5, $0x0  }
0x1f: {  	s9 =	smul.u32 $0xF7A, s1;
	s8 =	simm.s32 @!p0 $0x1BF5;
	p2 =	por !p2, p0  }
0x20: {  	[sflag:s8] =	ssyncset.s32 @!p0 $0xFFFFF086;
	s6 =	sadd.s32 @!p0 s3, s7;
	s7 =	simm.s32 @!p0 $0x108  }
0x21: {  	s3 =	sadd.s32 s3, s9;
	s6 =	sadd.s32 @!p0 $0x88, s6;
	s7 =	simm.s32 @p2 $0x1082  }
0x22: {  	[simem:s7], [sflag:s8] =	dma.local @!p0 [hbm:s6], $0xF7A  }
0x23: {  	s9 =	sor.u32 $0xD0000000, s2;
	s6 =	simm.s32 $0x108;
	_ =	swait.ge @!p0 [sflag:s8], $0x0  }
0x24: {  	s3 =	sadd.s32 $0x88, s3;
	s6 =	simm.s32 @!p1 $0x1082;
	[sflag:s4] =	ssyncset.s32 $0xFFFFF086  }
0x25: {  	[simem:s6], [sflag:s4] =	dma.local [hbm:s3], $0xF7A  }
0x26: {  	[smem:$0x3F9F] =	sst s1;
	(tag) =	ssettag s2;
	_ =	strace s9  }
0x27: {  	s1 =	sld [smem:$0x3FAF]  }
0x28: {  	s2 =	sld [smem:$0x3FB0]  }
0x29: {  	s4 =	sld [smem:$0x3FB2]  }
0x2a: {  	p0 =	seq.s32 s5, $0x0;
	s5 =	sld [smem:$0x3FB3]  }
0x2b: {  	s6 =	sld [smem:$0x3FB4]  }
0x2c: {  	s7 =	sld [smem:$0x3FB5]  }
0x2d: {  	s3 =	simm.s32 $0x108;
	s8 =	sld [smem:$0x3FB6]  }
0x2e: {  	s3 =	simm.s32 @!p0 $0x1082;
	s9 =	sld [smem:$0x3FB7]  }
0x2f: {  	lr =	sadd.s32 s0, s3;
	s0 =	sld [smem:$0x3FAE]  }
0x30: {  	s3 =	sld [smem:$0x3FB1]  }
0x31: {  	[smem:$0x3FBA] =	sst s10  }
0x32: {  	s10 =	sld [smem:$0x3FB8];
	_ =	sdelay $0x3  }
0x33: {  	p0 =	seq.s32 s10, $0x1;
	s10 =	sld [smem:$0x3FBA];
	_ =	sdelay $0x3  }
0x34: {  	[smem:$0x3FBA] =	sst s10  }
0x35: {  	s10 =	sld [smem:$0x3FB9];
	_ =	sdelay $0x3  }
0x36: {  	p1 =	seq.s32 s10, $0x1;
	s10 =	sld [smem:$0x3FBA];
	_ =	sdelay $0x3  }
0x37: {  	[smem:$0x3FBA] =	sst s10  }
0x38: {  	s10 =	sld [smem:$0x3FBB]  }
0x39: {  	_ = 	snop;
	(pc) =	sbr.ind lr, $3  }
0x3a: {  	_ = 	snop  }
0x3b: {  	_ = 	snop  }
0x3c: {  	p2 =	seq.s32 s10, $0x1;
	s10 =	sld [smem:$0x3FBA]  }
0x3d: {  	_ =	shalt  }
0x3e: {  	_ =	shalt  }
0x3f: {  	_ =	shalt  }
0x40: {  	_ =	shalt  }
0x41: {  	_ =	shalt  }
0x42: {  	_ =	shalt  }
0x43: {  	_ =	shalt  }
0x44: {  	_ =	shalt  }
0x45: {  	_ =	shalt  }
0x46: {  	_ =	shalt  }
0x47: {  	_ =	shalt  }
0x48: {  	_ =	shalt  }
0x49: {  	_ =	shalt  }
0x4a: {  	_ =	shalt  }
0x4b: {  	_ =	shalt  }
0x4c: {  	_ =	shalt  }
0x4d: {  	_ =	shalt  }
0x4e: {  	_ =	shalt  }
0x4f: {  	_ =	shalt  }
0x50: {  	_ =	shalt  }
0x51: {  	_ =	shalt  }
0x52: {  	_ =	shalt  }
0x53: {  	_ =	shalt  }
0x54: {  	_ =	shalt  }
0x55: {  	_ =	shalt  }
0x56: {  	_ =	shalt  }
0x57: {  	_ =	shalt  }
0x58: {  	_ =	shalt  }
0x59: {  	_ =	shalt  }
0x5a: {  	_ =	shalt  }
0x5b: {  	_ =	shalt  }
0x5c: {  	_ =	shalt  }
0x5d: {  	_ =	shalt  }
0x5e: {  	_ =	shalt  }
0x5f: {  	_ =	shalt  }
0x60: {  	_ =	shalt  }
0x61: {  	_ =	shalt  }
0x62: {  	_ =	shalt  }
0x63: {  	_ =	shalt  }
0x64: {  	_ =	shalt  }
0x65: {  	_ =	shalt  }
0x66: {  	_ =	shalt  }
0x67: {  	_ =	shalt  }
0x68: {  	_ =	shalt  }
0x69: {  	_ =	shalt  }
0x6a: {  	_ =	shalt  }
0x6b: {  	_ =	shalt  }
0x6c: {  	_ =	shalt  }
0x6d: {  	_ =	shalt  }
0x6e: {  	_ =	shalt  }
0x6f: {  	_ =	shalt  }
0x70: {  	_ =	shalt  }
0x71: {  	_ =	shalt  }
0x72: {  	_ =	shalt  }
0x73: {  	_ =	shalt  }
0x74: {  	_ =	shalt  }
0x75: {  	_ =	shalt  }
0x76: {  	_ =	shalt  }
0x77: {  	_ =	shalt  }
0x78: {  	_ =	shalt  }
0x79: {  	_ =	shalt  }
0x7a: {  	_ =	shalt  }
0x7b: {  	_ =	shalt  }
0x7c: {  	_ =	shalt  }
0x7d: {  	_ =	shalt  }
0x7e: {  	_ =	shalt  }
0x7f: {  	_ =	shalt  }
0x80: {  	_ =	shalt  }
0x81: {  	_ =	shalt  }
0x82: {  	_ =	shalt  }
0x83: {  	_ =	shalt  }
0x84: {  	_ =	shalt  }
0x85: {  	_ =	shalt  }
0x86: {  	_ =	shalt  }
0x87: {  	_ =	shalt  }
.Lfunc_end0:
.L_simem_size_0:
called_computation.1_lowered:
.L_overlay_start_0:
0x88: {  	s2 =	sld [smem:$0x3FD9]  }
0x89: {  	s3 =	sld [smem:$0x3FFE];
	_ =	sdelay $0x1  }
0x8a: {  	s1 =	srdreg.scid  }
0x8b: {  	s0 =	sand.u32 $0x1, s1  }
0x8c: {  	s17 =	sshll.u32 s0, $0xA;
	s2 =	sadd.s32 s3, s2  }
0x8d: {  	s2 =	sadd.s32 s2, s17  }
0x8e: {  	[smem:$0x3FC6] =	sst s2  }
0x8f: {  	_ = 	snop  }
0x90: {  	s2 =	sld [smem:$0x3FD0];
	(tm) =	ssettm $0x1  }
0x91: {  	s18 =	sld [smem:$0x3FFB];
	_ =	sdelay $0x3  }
0x92: {  	_ =	strace s18  }
0x93: {  	s3 =	sld [smem:$0x3FFC];
	_ =	sdelay $0x3  }
0x94: {  	_ =	strace s3  }
0x95: {  	s3 =	sld [smem:$0x3FFD];
	_ =	sdelay $0x3  }
0x96: {  	_ =	strace s3  }
0x97: {  	_ =	strace $0x8FFFFFFF  }
0x98: {  	s19 =	sld [smem:$0x3FDB];
	_ =	sdelay $0x1  }
0x99: {  	s4 =	simm.s32 $_scs_section_size  }
0x9a: {  	s5 =	simm.s32 $_size__tile_overlayer_lowered;
	s6 =	simm.s32 $_tile_overlayer_lowered  }
0x9b: {  	s22 =	simm.s32 $0x1BFF;
	s21 =	sshll.u32 s6, $0x1;
	s3 =	sadd.s32 s4, s19  }
0x9c: {  	s7 =	simm.s32 $0x0;
	s20 =	sshll.u32 s5, $0x1;
	s5 =	sadd.s32 s21, s3  }
0x9d: {  	[timem:s7], [sflag:s22] =	dma.local [hbm:s5], s20  }
0x9e: {  	_ =	swait.ge [sflag:s22], s20  }
0x9f: {  	s4 =	ssub.s32 $0x0, s20;
	[sflag:s22] =	ssyncset.done $0x0  }
0xa0: {  	[sflag:s22] =	ssyncadd.s32 s4;
	_ =	sdelay $0x1  }
0xa1: {  	s23 =	simm.s32 $0x1B8B  }
0xa2: {  	_ =	swait.ge [sflag:s23], $0x1  }
0xa3: {  	[sflag:s23] =	ssyncset.done $0x0  }
0xa4: {  	s25 =	simm.s32 $0x1B8E;
	s24 =	sld [smem:$0x3FFE];
	[sflag:s23] =	ssyncadd.s32 $0xFFFFFFFF  }
0xa5: {  	s26 =	simm.s32 $execute0_lowered;
	[smem:$0x3FD2] =	sst s25  }
0xa6: {  	s5 =	sshll.u32 s26, $0x1;
	_ =	strace $0x80000046;
	[dreg:$0x1] =	wrdreg $0xFFFFFFFF  }
0xa7: {  	s28 =	simm.s32 $_size_execute0_lowered;
	s3 =	sadd.s32 s3, s5;
	[dreg:$0x0] =	wrdreg $0x0  }
0xa8: {  	s5 =	sshll.u32 s28, $0x1;
	[dreg:$0x2] =	wrdreg s3  }
0xa9: {  	[dreg:$0x3] =	wrdreg s5  }
0xaa: {  	[dreg:$0x4] =	wrdreg $0xC0  }
0xab: {  	_ =	task [dreg:s7], $0x5FFFF  }
0xac: {  	[dreg:$0x1] =	wrdreg $0xFFFFFFFF  }
0xad: {  	[dreg:$0x0] =	wrdreg $0x60  }
0xae: {  	[dreg:$0x2] =	wrdreg s2  }
0xaf: {  	[dreg:$0x3] =	wrdreg s24  }
0xb0: {  	[dreg:$0x4] =	wrdreg $0x9  }
0xb1: {  	_ =	task.clear_ibuf [dreg:s7], $0x5FFFF;
	_ =	strace $0x90000046  }
0xb2: {  	s29 =	simm.s32 $0x9;
	_ =	strace $0x80000048  }
0xb3: {  	_ =	swait.ge [sflag:s29], $0x1  }
0xb4: {  	[sflag:s29] =	ssyncadd.s32 $0xFFFFFFFF  }
0xb5: {  	_ =	strace $0x90000048  }
0xb6: {  	_ =	sfence  }
0xb7: {  	s30 =	sld [smem:$0x0];
	_ =	sdelay $0x2  }
0xb8: {  	s31 =	sshll.u32 s1, $0xD;
	s1 =	sshrl.u32 s1, $0x2  }
0xb9: {  	s3 =	sand.u32 $0x4000, s31;
	s1 =	sadd.s32 s1, s30  }
0xba: {  	s0 =	sor.u32 s3, s0;
	s1 =	sshll.u32 s1, $0x11  }
0xbb: {  	s0 =	sor.u32 s1, s0  }
0xbc: {  	s0 =	sadd.s32 $0x8F2B, s0  }
0xbd: {  	[sflag:s0] =	ssyncadd.remote.s32 $0x1  }
0xbe: {  	_ =	sfence.sel $0xFFFF  }
0xbf: {  	[dreg:$0x0] =	wrdreg $0xFFFFFFFF;
	(pc) =	sbr.abs _section_cstart, $3  }
0xc0: {  	[dreg:$0x1] =	wrdreg $0xFFFFFFFF  }
0xc1: {  	_ =	task.clear_ibuf [dreg:s7], $0x2FFFF;
	_ =	strace $0x9FFFFFFF  }
0xc2: {  	(tm) =	ssettm $0x7FFFFFFF  }
0xc3: {  	_ =	shalt  }
tec
execute0_lowered:
.L_overlay_start_1:
0x0: {  	(tag) =	ssettag $0x1  }
0x1: {  	s0 =	rddreg [dreg:$0x0]  }
0x2: {  	s1 =	rddreg [dreg:$0x1];
	s3 =	srdreg.scid  }
0x3: {  	s2 =	simm.s32 $0x0;
	s10 =	stileid.u32;
	s29 =	simm.s32 $0x14000  }
0x4: {  	s31 =	simm.s32 $0x16000;
	s9 =	sand.u32 $0x1, s3;
	s12 =	smul.u32 $0xE0000, s10  }
0x5: {  	[smem:$0x7FF] =	sst s2;
	s15 =	sshll.u32 s10, $0xA;
	s17 =	smul.u32 $0x700000, s10  }
0x6: {  	s3 =	sadd.s32 $0xF43200, s1;
	s4 =	sshll.u32 s9, $0x9;
	s11 =	smul.u32 $0x380000, s9  }
0x7: {  	_ =	strace $0x80000047;
	s14 =	smul.u32 $0x70000, s9;
	s5 =	sor.u32 s4, s15  }
0x8: {  	s6 =	ssub.s32 $0x2, s9;
	s4 =	sadd.s32 $0xE00, s1;
	s7 =	smul.u32 $0x380, s5  }
0x9: {  	s16 =	sshrl.u32 s6, $0x1;
	s15 =	simm.s32 $0x5;
	s8 =	smul.u32 $0x1C00, s5  }
0xa: {  	s1 =	ssub.s32 s6, s16;
	s5 =	sshll.u32 s5, $0x3;
	s12 =	sadd.s32 s14, s12  }
0xb: {  	s16 =	simm.s32 $0x40;
	s0 =	sadd.s32 s0, s5;
	[dreg:$0x3] =	wrdreg s12  }
0xc: {  	[dreg:$0x9] =	wrdreg s0;
	s6 =	sadd.s32 s4, s7;
	s19 =	sshrl.u32 s8, $0x3  }
0xd: {  	s0 =	sadd.s32 s11, s17;
	s17 =	simm.s32 $0x8000;
	s18 =	sadd.s32 $0x380, s6  }
0xe: {  	s20 =	sadd.s32 $0x700, s6;
	s13 =	sadd.s32 s4, s19;
	s21 =	sadd.s32 $0xA80, s6  }
0xf: {  	s22 =	sor.u32 $0xC400, s0;
	s24 =	sor.u32 $0xA800, s0;
	[dreg:$0xa] =	wrdreg s18  }
0x10: {  	s26 =	sor.u32 $0x8C00, s0;
	s30 =	sor.u32 $0x13400, s0;
	[dreg:$0xb] =	wrdreg s20  }
0x11: {  	s0 =	sor.u32 $0x11800, s0;
	s19 =	simm.s32 $0x2;
	[dreg:$0xc] =	wrdreg s21  }
0x12: {  	s10 =	sadd.s32 $0x6F200, s13;
	s11 =	sadd.s32 $0x6F580, s13;
	s23 =	sshrl.u32 s22, $0x3  }
0x13: {  	s25 =	sshrl.u32 s24, $0x3;
	s28 =	sshrl.u32 s26, $0x3;
	s14 =	sshrl.u32 s30, $0x3  }
0x14: {  	s12 =	sadd.s32 $0x6F900, s13;
	s0 =	sshrl.u32 s0, $0x3;
	[dreg:$0x4] =	wrdreg s23  }
0x15: {  	s13 =	sadd.s32 $0x6FC80, s13;
	s18 =	simm.s32 $0xA000;
	[dreg:$0x5] =	wrdreg s25  }
0x16: {  	s20 =	simm.s32 $0xC000;
	s22 =	simm.s32 $0xE000;
	[dreg:$0x6] =	wrdreg s28  }
0x17: {  	s24 =	simm.s32 $0x10000;
	s26 =	simm.s32 $0x12000;
	[dreg:$0x7] =	wrdreg s14  }
0x18: {  	s21 =	simm.s32 $0x4;
	s14 =	smax.u32 s1, $0x1;
	[dreg:$0x8] =	wrdreg s0  }
0x19: {  	s0 =	simm.s32 $0x1;
	s1 =	simm.s32 $0x3;
	s23 =	simm.s32 $0x0  }
.LBB2_1:
0x1a: {  	s5 =	rddreg [dreg:$0x9]  }
0x1b: {  	[tilespmem:s2], [sflag:$0x5] =	stream.linear.gather [hbm4b:s5+s2], $0x8000, $0x38;
	[tilespmem:$0x18000] =	vst v63  }
0x1c: {  	_ =	swait.ge [sflag:s15], $0x8000  }
0x1d: {  	[sflag:s15] =	ssyncset.done $0x0  }
0x1e: {  	[sflag:s15] =	ssyncadd.s32 $0xFFFF8000  }
0x1f: {  	[tilespmem:s17], [sflag:$0x1] =	stream.indirect.gather [hbm4b:s3+s16], $0x80, s2, s16, $0xb8;
	[tilespmem:$0x18000] =	vst v63  }
0x20: {  	_ = 	snop  }
0x21: {  	[tilespmem:s18], [sflag:$0x1] =	stream.indirect.gather [hbm4b:s3+s16], $0x80, s16, s16, $0xb8;
	[tilespmem:$0x18000] =	vst v63  }
0x22: {  	s8 =	simm.s32 $0x80  }
0x23: {  	[tilespmem:s20], [sflag:$0x1] =	stream.indirect.gather [hbm4b:s3+s16], $0x80, s8, s16, $0xb8;
	[tilespmem:$0x18000] =	vst v63  }
0x24: {  	s9 =	simm.s32 $0xC0  }
0x25: {  	[tilespmem:s22], [sflag:$0x1] =	stream.indirect.gather [hbm4b:s3+s16], $0x80, s9, s16, $0xb8;
	[tilespmem:$0x18000] =	vst v63  }
0x26: {  	s25 =	simm.s32 $0x100  }
0x27: {  	[tilespmem:s24], [sflag:$0x2] =	stream.indirect.gather [hbm4b:s3+s16], $0x80, s25, s16, $0xb8;
	[tilespmem:$0x18000] =	vst v63  }
0x28: {  	s7 =	simm.s32 $0x140  }
0x29: {  	[tilespmem:s26], [sflag:$0x2] =	stream.indirect.gather [hbm4b:s3+s16], $0x80, s7, s16, $0xb8;
	[tilespmem:$0x18000] =	vst v63  }
0x2a: {  	s8 =	simm.s32 $0x180  }
0x2b: {  	[tilespmem:s29], [sflag:$0x2] =	stream.indirect.gather [hbm4b:s3+s16], $0x80, s8, s16, $0xb8;
	[tilespmem:$0x18000] =	vst v63  }
0x2c: {  	s9 =	simm.s32 $0x1C0  }
0x2d: {  	[tilespmem:s31], [sflag:$0x2] =	stream.indirect.gather [hbm4b:s3+s16], $0x80, s9, s16, $0xb8;
	[tilespmem:$0x18000] =	vst v63  }
0x2e: {  	_ =	swait.ge [sflag:s0], $0x8000  }
0x2f: {  	[sflag:s0] =	ssyncset.done $0x0  }
0x30: {  	[sflag:s0] =	ssyncadd.s32 $0xFFFF8000  }
0x31: {  	[hbm4b:s6+s2] =	stream.linear.scatter [tilespmem:s17], [sflag:$0x3], $0x1C00, $0x38;
	[tilespmem:$0x18000] =	vst v63  }
0x32: {  	s25 =	rddreg [dreg:$0xa]  }
0x33: {  	[hbm4b:s25+s2] =	stream.linear.scatter [tilespmem:s18], [sflag:$0x3], $0x1C00, $0x38;
	[tilespmem:$0x18000] =	vst v63  }
0x34: {  	s7 =	rddreg [dreg:$0xb]  }
0x35: {  	[hbm4b:s7+s2] =	stream.linear.scatter [tilespmem:s20], [sflag:$0x3], $0x1C00, $0x38;
	[tilespmem:$0x18000] =	vst v63  }
0x36: {  	s8 =	rddreg [dreg:$0xc]  }
0x37: {  	[hbm4b:s8+s2] =	stream.linear.scatter [tilespmem:s22], [sflag:$0x3], $0x1C00, $0x38;
	[tilespmem:$0x18000] =	vst v63  }
0x38: {  	_ =	swait.ge [sflag:s1], $0x7000  }
0x39: {  	[sflag:s1] =	ssyncset.done $0x0  }
0x3a: {  	s25 =	simm.s32 $0x200;
	[sflag:s1] =	ssyncadd.s32 $0xFFFF9000  }
0x3b: {  	[tilespmem:s17], [sflag:$0x1] =	stream.indirect.gather [hbm4b:s3+s16], $0x80, s25, s16, $0xb8;
	[tilespmem:$0x18000] =	vst v63  }
0x3c: {  	s9 =	simm.s32 $0x240  }
0x3d: {  	[tilespmem:s18], [sflag:$0x1] =	stream.indirect.gather [hbm4b:s3+s16], $0x80, s9, s16, $0xb8;
	[tilespmem:$0x18000] =	vst v63  }
0x3e: {  	s5 =	simm.s32 $0x280  }
0x3f: {  	[tilespmem:s20], [sflag:$0x1] =	stream.indirect.gather [hbm4b:s3+s16], $0x80, s5, s16, $0xb8;
	[tilespmem:$0x18000] =	vst v63  }
0x40: {  	s7 =	simm.s32 $0x2C0  }
0x41: {  	[tilespmem:s22], [sflag:$0x1] =	stream.indirect.gather [hbm4b:s3+s16], $0x80, s7, s16, $0xb8;
	[tilespmem:$0x18000] =	vst v63  }
0x42: {  	_ =	swait.ge [sflag:s19], $0x8000  }
0x43: {  	s8 =	rddreg [dreg:$0x3]  }
0x44: {  	[sflag:s19] =	ssyncset.done $0x0;
	s25 =	sadd.s32 s4, s8  }
0x45: {  	s28 =	rddreg [dreg:$0x6];
	[sflag:s19] =	ssyncadd.s32 $0xFFFF8000;
	s30 =	sadd.s32 $0xE00, s25  }
0x46: {  	[hbm4b:s30+s2] =	stream.linear.scatter [tilespmem:s24], [sflag:$0x4], $0x1C00, $0x38;
	[tilespmem:$0x18000] =	vst v63  }
0x47: {  	s28 =	sadd.s32 s4, s28;
	s30 =	rddreg [dreg:$0x5]  }
0x48: {  	[hbm4b:s28+s2] =	stream.linear.scatter [tilespmem:s26], [sflag:$0x4], $0x1C00, $0x38;
	[tilespmem:$0x18000] =	vst v63  }
0x49: {  	s30 =	sadd.s32 s4, s30;
	s28 =	rddreg [dreg:$0x4]  }
0x4a: {  	[hbm4b:s30+s2] =	stream.linear.scatter [tilespmem:s29], [sflag:$0x4], $0x1C00, $0x38;
	[tilespmem:$0x18000] =	vst v63  }
0x4b: {  	s28 =	sadd.s32 s4, s28  }
0x4c: {  	[hbm4b:s28+s2] =	stream.linear.scatter [tilespmem:s31], [sflag:$0x4], $0x1C00, $0x38;
	[tilespmem:$0x18000] =	vst v63  }
0x4d: {  	_ =	swait.ge [sflag:s21], $0x7000  }
0x4e: {  	[sflag:s21] =	ssyncset.done $0x0  }
0x4f: {  	s28 =	simm.s32 $0x300;
	[sflag:s21] =	ssyncadd.s32 $0xFFFF9000  }
0x50: {  	[tilespmem:s24], [sflag:$0x2] =	stream.indirect.gather [hbm4b:s3+s16], $0x80, s28, s16, $0xb8;
	[tilespmem:$0x18000] =	vst v63  }
0x51: {  	s28 =	simm.s32 $0x340  }
0x52: {  	[tilespmem:s26], [sflag:$0x2] =	stream.indirect.gather [hbm4b:s3+s16], $0x80, s28, s16, $0xb8;
	[tilespmem:$0x18000] =	vst v63  }
0x53: {  	s28 =	simm.s32 $0x380  }
0x54: {  	[tilespmem:s29], [sflag:$0x2] =	stream.indirect.gather [hbm4b:s3+s16], $0x80, s28, s16, $0xb8;
	[tilespmem:$0x18000] =	vst v63  }
0x55: {  	s28 =	simm.s32 $0x3C0  }
0x56: {  	[tilespmem:s31], [sflag:$0x2] =	stream.indirect.gather [hbm4b:s3+s16], $0x80, s28, s16, $0xb8;
	[tilespmem:$0x18000] =	vst v63  }
0x57: {  	_ =	swait.ge [sflag:s0], $0x8000  }
0x58: {  	[sflag:s0] =	ssyncset.done $0x0  }
0x59: {  	s30 =	sadd.s32 $0x1C00, s25;
	s28 =	rddreg [dreg:$0x8];
	[sflag:s0] =	ssyncadd.s32 $0xFFFF8000  }
0x5a: {  	[hbm4b:s30+s2] =	stream.linear.scatter [tilespmem:s17], [sflag:$0x3], $0x1C00, $0x38;
	[tilespmem:$0x18000] =	vst v63  }
0x5b: {  	s25 =	sadd.s32 $0x1F80, s25;
	s9 =	sadd.s32 s4, s28;
	s30 =	rddreg [dreg:$0x7]  }
0x5c: {  	[hbm4b:s25+s2] =	stream.linear.scatter [tilespmem:s18], [sflag:$0x3], $0x1C00, $0x38;
	[tilespmem:$0x18000] =	vst v63  }
0x5d: {  	s28 =	sadd.s32 $0x1C00, s4;
	s30 =	sadd.s32 s4, s30;
	s25 =	simm.s32 $0x800  }
0x5e: {  	[hbm4b:s9+s2] =	stream.linear.scatter [tilespmem:s20], [sflag:$0x3], $0x1C00, $0x38;
	[tilespmem:$0x18000] =	vst v63  }
.LBB2_2:
0x5f: {  	[hbm4b:s30+s2] =	stream.linear.scatter [tilespmem:s22], [sflag:$0x3], $0x1C00, $0x38;
	[tilespmem:$0x18000] =	vst v63  }
0x60: {  	s30 =	smov.u32 s25;
	_ =	swait.ge [sflag:s1], $0x7000  }
0x61: {  	s30 =	sshra.s32 s30, $0x2;
	[sflag:s1] =	ssyncset.done $0x0  }
0x62: {  	s5 =	sadd.s32 $0x200, s30;
	[sflag:s1] =	ssyncadd.s32 $0xFFFF9000  }
0x63: {  	[tilespmem:s17], [sflag:$0x1] =	stream.indirect.gather [hbm4b:s3+s16], $0x80, s5, s16, $0xb8;
	[tilespmem:$0x18000] =	vst v63  }
0x64: {  	s8 =	sadd.s32 $0x240, s30  }
0x65: {  	[tilespmem:s18], [sflag:$0x1] =	stream.indirect.gather [hbm4b:s3+s16], $0x80, s8, s16, $0xb8;
	[tilespmem:$0x18000] =	vst v63  }
0x66: {  	s9 =	sadd.s32 $0x280, s30  }
0x67: {  	[tilespmem:s20], [sflag:$0x1] =	stream.indirect.gather [hbm4b:s3+s16], $0x80, s9, s16, $0xb8;
	[tilespmem:$0x18000] =	vst v63  }
0x68: {  	s7 =	sadd.s32 $0x2C0, s30  }
0x69: {  	[tilespmem:s22], [sflag:$0x1] =	stream.indirect.gather [hbm4b:s3+s16], $0x80, s7, s16, $0xb8;
	[tilespmem:$0x18000] =	vst v63  }
0x6a: {  	_ =	swait.ge [sflag:s19], $0x8000  }
0x6b: {  	s8 =	rddreg [dreg:$0x3]  }
0x6c: {  	[sflag:s19] =	ssyncset.done $0x0;
	s5 =	sadd.s32 s28, s8  }
0x6d: {  	s7 =	rddreg [dreg:$0x6];
	[sflag:s19] =	ssyncadd.s32 $0xFFFF8000;
	s8 =	sadd.s32 $0xE00, s5  }
0x6e: {  	[hbm4b:s8+s2] =	stream.linear.scatter [tilespmem:s24], [sflag:$0x4], $0x1C00, $0x38;
	[tilespmem:$0x18000] =	vst v63  }
0x6f: {  	s9 =	rddreg [dreg:$0x5];
	s7 =	sadd.s32 s28, s7  }
0x70: {  	[hbm4b:s7+s2] =	stream.linear.scatter [tilespmem:s26], [sflag:$0x4], $0x1C00, $0x38;
	[tilespmem:$0x18000] =	vst v63  }
0x71: {  	s9 =	sadd.s32 s28, s9;
	s8 =	rddreg [dreg:$0x4]  }
0x72: {  	[hbm4b:s9+s2] =	stream.linear.scatter [tilespmem:s29], [sflag:$0x4], $0x1C00, $0x38;
	[tilespmem:$0x18000] =	vst v63  }
0x73: {  	s9 =	sadd.s32 s28, s8  }
0x74: {  	[hbm4b:s9+s2] =	stream.linear.scatter [tilespmem:s31], [sflag:$0x4], $0x1C00, $0x38;
	[tilespmem:$0x18000] =	vst v63  }
0x75: {  	_ =	swait.ge [sflag:s21], $0x7000  }
0x76: {  	[sflag:s21] =	ssyncset.done $0x0  }
0x77: {  	s8 =	sadd.s32 $0x300, s30;
	[sflag:s21] =	ssyncadd.s32 $0xFFFF9000  }
0x78: {  	[tilespmem:s24], [sflag:$0x2] =	stream.indirect.gather [hbm4b:s3+s16], $0x80, s8, s16, $0xb8;
	[tilespmem:$0x18000] =	vst v63  }
0x79: {  	s9 =	sadd.s32 $0x340, s30  }
0x7a: {  	[tilespmem:s26], [sflag:$0x2] =	stream.indirect.gather [hbm4b:s3+s16], $0x80, s9, s16, $0xb8;
	[tilespmem:$0x18000] =	vst v63  }
0x7b: {  	s8 =	sadd.s32 $0x380, s30  }
0x7c: {  	[tilespmem:s29], [sflag:$0x2] =	stream.indirect.gather [hbm4b:s3+s16], $0x80, s8, s16, $0xb8;
	[tilespmem:$0x18000] =	vst v63  }
0x7d: {  	s9 =	sadd.s32 $0x3C0, s30  }
0x7e: {  	[tilespmem:s31], [sflag:$0x2] =	stream.indirect.gather [hbm4b:s3+s16], $0x80, s9, s16, $0xb8;
	[tilespmem:$0x18000] =	vst v63  }
0x7f: {  	_ =	swait.ge [sflag:s0], $0x8000  }
0x80: {  	[sflag:s0] =	ssyncset.done $0x0  }
0x81: {  	p0 =	sne.s32 s25, $0x1F000;
	s8 =	sadd.s32 $0x1C00, s5;
	[sflag:s0] =	ssyncadd.s32 $0xFFFF8000  }
0x82: {  	[hbm4b:s8+s2] =	stream.linear.scatter [tilespmem:s17], [sflag:$0x3], $0x1C00, $0x38;
	[tilespmem:$0x18000] =	vst v63  }
.Ltmp0:
0x83: {  	s7 =	rddreg [dreg:$0x8];
	(pc) =	sbr.rel @p0 .LBB2_2-.Ltmp0, $4  }
0x84: {  	s25 =	sadd.s32 $0x800, s25;
	s5 =	sadd.s32 $0x1F80, s5;
	s9 =	rddreg [dreg:$0x7]  }
0x85: {  	[hbm4b:s5+s2] =	stream.linear.scatter [tilespmem:s18], [sflag:$0x3], $0x1C00, $0x38;
	[tilespmem:$0x18000] =	vst v63  }
0x86: {  	s30 =	sadd.s32 s28, s9;
	s8 =	sadd.s32 s28, s7;
	s28 =	sadd.s32 $0x1C00, s28  }
0x87: {  	[hbm4b:s8+s2] =	stream.linear.scatter [tilespmem:s20], [sflag:$0x3], $0x1C00, $0x38;
	[tilespmem:$0x18000] =	vst v63  }
0x88: {  	[hbm4b:s30+s2] =	stream.linear.scatter [tilespmem:s22], [sflag:$0x3], $0x1C00, $0x38;
	[tilespmem:$0x18000] =	vst v63  }
0x89: {  	_ =	swait.ge [sflag:s1], $0x7000  }
0x8a: {  	[sflag:s1] =	ssyncset.done $0x0  }
0x8b: {  	[sflag:s1] =	ssyncadd.s32 $0xFFFF9000  }
0x8c: {  	_ =	swait.ge [sflag:s19], $0x8000  }
0x8d: {  	[sflag:s19] =	ssyncset.done $0x0  }
0x8e: {  	[sflag:s19] =	ssyncadd.s32 $0xFFFF8000  }
0x8f: {  	[hbm4b:s10+s2] =	stream.linear.scatter [tilespmem:s24], [sflag:$0x4], $0x1C00, $0x38;
	[tilespmem:$0x18000] =	vst v63  }
0x90: {  	s23 =	sadd.s32 $0x1, s23  }
0x91: {  	[hbm4b:s11+s2] =	stream.linear.scatter [tilespmem:s26], [sflag:$0x4], $0x1C00, $0x38;
	[tilespmem:$0x18000] =	vst v63  }
0x92: {  	p0 =	sne.s32 s23, s14  }
0x93: {  	[hbm4b:s12+s2] =	stream.linear.scatter [tilespmem:s29], [sflag:$0x4], $0x1C00, $0x38;
	[tilespmem:$0x18000] =	vst v63  }
.Ltmp1:
0x94: {  	_ = 	snop;
	(pc) =	sbr.rel @p0 .LBB2_1-.Ltmp1, $4  }
0x95: {  	[hbm4b:s13+s2] =	stream.linear.scatter [tilespmem:s31], [sflag:$0x4], $0x1C00, $0x38;
	[tilespmem:$0x18000] =	vst v63  }
0x96: {  	_ =	swait.ge [sflag:s21], $0x7000  }
0x97: {  	[sflag:s21] =	ssyncset.done $0x0  }
0x98: {  	[sflag:s21] =	ssyncadd.s32 $0xFFFF9000  }
0x99: {  	_ =	sfence.sel $0x180000  }
0x9a: {  	[bflag:$0x0] =	sbarrier.arrive $0xFFFF  }
0x9b: {  	_ =	strace $0x90000047  }
0x9c: {  	s0 =	stileid.u32;
	[bflag:$0x2] =	sbarrier.arrive $0xFFFF  }
0x9d: {  	p0 =	sne.s32 s0, $0x0;
	s0 =	rddreg [dreg:$0x2]  }
0x9e: {  	s0 =	sadd.s32 @!p0 $0x100000, s0  }
0x9f: {  	[sflag:s0] =	ssyncadd.tile.s32 @!p0 $0x1;
	_ =	shalt  }
.Lfunc_end2:
_tile_overlayer_lowered:
.L_overlay_start_2:
0xa0: {  	(tag) =	ssettag $0x2  }
0xa1: {  	s0 =	rddreg [dreg:$0x0];
	s2 =	stileid.u32  }
0xa2: {  	s1 =	rddreg [dreg:$0x1];
	p0 =	sne.s32 s2, $0x0  }
0xa3: {  	s3 =	rddreg [dreg:$0x2];
	[bflag:$0x3] =	sbarrier.arrive $0xFFFF;
	s2 =	simm.s32 @!p0 $0x1C05  }
0xa4: {  	[timem:s3], [sflag:s2] =	dma.local @!p0 [hbm:s0], s1  }
0xa5: {  	s0 =	simm.s32 @!p0 $0x5  }
0xa6: {  	_ =	swait.ge @!p0 [sflag:s0], s1  }
0xa7: {  	s1 =	ssub.s32 @!p0 $0x0, s1;
	[sflag:s0] =	ssyncset.done @!p0 $0x0  }
0xa8: {  	[sflag:s0] =	ssyncadd.s32 @!p0 s1  }
0xa9: {  	[bflag:$0x3] =	sbarrier.arrive $0xFFFF  }
0xaa: {  	_ =	shalt  }

// kernel: sparse-core-data-format-call.cloned.1.call-start
scs
called_computation_lowered:
.L_overlay_start_0:
0x0: {  	s2 =	sld [smem:$0x3FD9]  }
0x1: {  	s3 =	sld [smem:$0x3FFE];
	_ =	sdelay $0x1  }
0x2: {  	s1 =	srdreg.scid  }
0x3: {  	s0 =	sand.u32 $0x1, s1  }
0x4: {  	s18 =	sshll.u32 s0, $0xA;
	s2 =	sadd.s32 s3, s2  }
0x5: {  	s2 =	sadd.s32 s2, s18  }
0x6: {  	[smem:$0x3FC6] =	sst s2  }
0x7: {  	_ = 	snop  }
0x8: {  	s2 =	sld [smem:$0x3FD0];
	(tm) =	ssettm $0x1  }
0x9: {  	s19 =	sld [smem:$0x3FFB];
	_ =	sdelay $0x3  }
0xa: {  	_ =	strace s19  }
0xb: {  	s3 =	sld [smem:$0x3FFC];
	_ =	sdelay $0x3  }
0xc: {  	_ =	strace s3  }
0xd: {  	s3 =	sld [smem:$0x3FFD];
	_ =	sdelay $0x3  }
0xe: {  	_ =	strace s3  }
0xf: {  	_ =	strace $0x8FFFFFFF  }
0x10: {  	s20 =	sld [smem:$0x3FDB];
	_ =	sdelay $0x1  }
0x11: {  	s4 =	simm.s32 $_scs_section_size  }
0x12: {  	s5 =	simm.s32 $_size__tile_overlayer_lowered;
	s6 =	simm.s32 $_tile_overlayer_lowered  }
0x13: {  	s23 =	simm.s32 $0x1BFF;
	s22 =	sshll.u32 s6, $0x1;
	s3 =	sadd.s32 s4, s20  }
0x14: {  	s7 =	simm.s32 $0x0;
	s21 =	sshll.u32 s5, $0x1;
	s5 =	sadd.s32 s22, s3  }
0x15: {  	[timem:s7], [sflag:s23] =	dma.local [hbm:s5], s21  }
0x16: {  	_ =	swait.ge [sflag:s23], s21  }
0x17: {  	s4 =	ssub.s32 $0x0, s21;
	[sflag:s23] =	ssyncset.done $0x0  }
0x18: {  	[sflag:s23] =	ssyncadd.s32 s4;
	_ =	sdelay $0x1  }
0x19: {  	s24 =	simm.s32 $0x1B8B  }
0x1a: {  	_ =	swait.ge [sflag:s24], $0x1  }
0x1b: {  	[sflag:s24] =	ssyncset.done $0x0  }
0x1c: {  	s26 =	simm.s32 $0x1B8E;
	s25 =	sld [smem:$0x3FFE];
	[sflag:s24] =	ssyncadd.s32 $0xFFFFFFFF  }
0x1d: {  	s27 =	simm.s32 $execute0_lowered;
	[smem:$0x3FD2] =	sst s26  }
0x1e: {  	s5 =	sshll.u32 s27, $0x1;
	_ =	strace $0x80000049;
	[dreg:$0x1] =	wrdreg $0xFFFFFFFF  }
0x1f: {  	s28 =	simm.s32 $_size_execute0_lowered;
	s3 =	sadd.s32 s3, s5;
	[dreg:$0x0] =	wrdreg $0x0  }
0x20: {  	s5 =	sshll.u32 s28, $0x1;
	[dreg:$0x2] =	wrdreg s3  }
0x21: {  	[dreg:$0x3] =	wrdreg s5  }
0x22: {  	[dreg:$0x4] =	wrdreg $0xC0  }
0x23: {  	_ =	task [dreg:s7], $0x5FFFF  }
0x24: {  	[dreg:$0x1] =	wrdreg $0xFFFFFFFF  }
0x25: {  	[dreg:$0x0] =	wrdreg $0x60  }
0x26: {  	[dreg:$0x2] =	wrdreg s25  }
0x27: {  	[dreg:$0x3] =	wrdreg s2  }
0x28: {  	[dreg:$0x4] =	wrdreg $0x9  }
0x29: {  	_ =	task.clear_ibuf [dreg:s7], $0x5FFFF;
	_ =	strace $0x90000049  }
0x2a: {  	s29 =	simm.s32 $0x9;
	_ =	strace $0x8000004B  }
0x2b: {  	_ =	swait.ge [sflag:s29], $0x1  }
0x2c: {  	[sflag:s29] =	ssyncadd.s32 $0xFFFFFFFF  }
0x2d: {  	_ =	strace $0x9000004B  }
0x2e: {  	_ =	sfence  }
0x2f: {  	s30 =	sld [smem:$0x0];
	_ =	sdelay $0x2  }
0x30: {  	s31 =	sshll.u32 s1, $0xD;
	s1 =	sshrl.u32 s1, $0x2  }
0x31: {  	s3 =	sand.u32 $0x4000, s31;
	s1 =	sadd.s32 s1, s30  }
0x32: {  	s0 =	sor.u32 s3, s0;
	s1 =	sshll.u32 s1, $0x11  }
0x33: {  	s0 =	sor.u32 s1, s0  }
0x34: {  	s0 =	sadd.s32 $0x8F2B, s0  }
0x35: {  	[sflag:s0] =	ssyncadd.remote.s32 $0x1  }
0x36: {  	_ =	sfence.sel $0xFFFF  }
0x37: {  	[dreg:$0x0] =	wrdreg $0xFFFFFFFF;
	(pc) =	sbr.abs _section_cstart, $3  }
0x38: {  	[dreg:$0x1] =	wrdreg $0xFFFFFFFF  }
0x39: {  	_ =	task.clear_ibuf [dreg:s7], $0x2FFFF;
	_ =	strace $0x9FFFFFFF  }
0x3a: {  	(tm) =	ssettm $0x7FFFFFFF  }
0x3b: {  	_ =	shalt  }
tec
execute0_lowered:
.L_overlay_start_1:
0x0: {  	(tag) =	ssettag $0x1  }
0x1: {  	s0 =	srdreg.scid  }
0x2: {  	s1 =	sshll.u32 s0, $0x4  }
0x3: {  	s0 =	stileid.u32;
	s1 =	sand.u32 $0x10, s1  }
0x4: {  	s1 =	sor.u32 s0, s1  }
0x5: {  	s6 =	rddreg [dreg:$0x0];
	s4 =	simm.s32 $0x1;
	s2 =	sshll.u32 s1, $0x7  }
0x6: {  	s7 =	simm.s32 $0x2;
	s12 =	simm.s32 $0x0;
	s1 =	ssub.s32 $0x4000, s2  }
0x7: {  	s8 =	simm.s32 $0x20000;
	s13 =	simm.s32 $0x0;
	s3 =	sand.u32 $0xF80, s1  }
0x8: {  	s9 =	simm.s32 $0x0;
	s5 =	sshrl.u32 s1, $0xC;
	p0 =	sne.s32 s3, $0x0  }
.Ltmp0:
0x9: {  	s1 =	rddreg [dreg:$0x2];
	s4 =	simm.s32 @!p0 $0x0;
	(pc) =	sbr.rel .LBB1_1-.Ltmp0, $4  }
0xa: {  	s11 =	simm.s32 $0x0;
	s3 =	rddreg [dreg:$0x1];
	s5 =	sadd.s32 s4, s5  }
0xb: {  	_ =	strace $0x8000004A;
	s4 =	simm.s32 $0x1;
	s5 =	smul.u32 $0x32, s5  }
0xc: {  	s6 =	sadd.s32 $0xE00, s6;
	s10 =	smov.u32 s2;
	[sflag:s4] =	ssyncpa.u1 $0x0  }
0xd: {  	p0 =	por $0x0, $0x0;
	[sflag:s7] =	ssyncpa.u1 $0x0;
	s7 =	sor.u32 $0x1, s5  }
.LBB1_4:
0xe: {  	s16 =	sshll.u32 s13, $0x3;
	s17 =	sand.u32 $0x78, s13  }
0xf: {  	s30 =	sand.u32 $0x1F800, s13;
	s12 =	sshll.u32 s12, $0x11;
	s16 =	sand.u32 $0x3C00, s16  }
0x10: {  	[tilespmem:s15+$0x810 ss:$0x81] =	vst.msk $0xffff, v2;
	s31 =	sand.u32 $0x7, s13;
	s16 =	sor.u32 s17, s16;
	s17 =	sadd.s32 s3, s30  }
0x11: {  	[tilespmem:s15+$0x1020 ss:$0x81] =	vst.msk $0xffff, v0;
	s13 =	sshll.u32 s31, $0x12;
	s12 =	sadd.s32 s12, s17;
	s16 =	sshrl.u32 s16, $0x3  }
0x12: {  	[tilespmem:s15+$0x0 ss:$0x81] =	vst.msk $0xffff, v1;
	s13 =	sor.u32 $0x400, s13;
	s12 =	sadd.s32 s16, s12  }
0x13: {  	[hbm4b:s12+s13] =	stream.strided.scatter [tilespmem:s14], [sflag:$0x2], $0x2000, s8, s13, $0x20;
	[tilespmem:$0x8080] =	vst v63  }
.LBB1_5:
0x14: {  	s14 =	sadd.s32 $0x1, s9  }
0x15: {  	s12 =	sadd.s32 $0x1000, s10;
	s16 =	smov.u32 s10;
	p2 =	sgt.s32 s14, $0x31  }
0x16: {  	s16 =	smov.u32 @p2 s12  }
0x17: {  	s14 =	simm.s32 @p2 $0x0;
	p2 =	sgt.s32 s16, $0x3FFF  }
0x18: {  	s16 =	smov.u32 @p2 s2;
	p2 =	sne.s32 s11, s7  }
.Ltmp1:
0x19: {  	p1 =	slt.u32 s11, $0x2;
	(pc) =	sbr.rel @!p2 .LBB1_6-.Ltmp1, $4  }
0x1a: {  	s15 =	simm.s32 @!p1 $0x2  }
0x1b: {  	s13 =	smov.u32 s10;
	p0 =	por !p0, !p0;
	_ =	swait.ge @!p1 [sflag:s15], $0x2000  }
0x1c: {  	s12 =	smov.u32 s9;
	[sflag:s15] =	ssyncset.done @!p1 $0x0;
	s9 =	smov.u32 s14  }
0x1d: {  	s11 =	sadd.s32 $0x1, s11;
	[sflag:s15] =	ssyncadd.s32 @!p1 $0xFFFFE000;
	s10 =	smov.u32 s16  }
.LBB1_1:
0x1e: {  	p1 =	sge.u32 s11, s5  }
0x1f: {  	s14 =	sand.u32 @!p1 $0x1FFFFFF, s9  }
0x20: {  	s15 =	smulhi.u32 @!p1 $0x4924925, s14;
	_ =	sdelay $0x1  }
0x21: {  	s15 =	smul.u32 @!p1 $0x38, s15  }
0x22: {  	s16 =	sxor.u32 @!p1 $0xFFFFFFFF, s11;
	s17 =	smul.u32 @!p1 $0x380, s10  }
0x23: {  	s31 =	sadd.s32 $0xFFFFFFFF, s11;
	s16 =	sshll.u32 @!p1 s16, $0xD;
	s14 =	ssub.s32 @!p1 s14, s15  }
0x24: {  	s15 =	sand.u32 @!p1 $0x2000, s16;
	s16 =	sadd.s32 @!p1 s6, s17;
	s14 =	sshll.u32 @!p1 s14, $0x4  }
0x25: {  	s17 =	simm.s32 @!p1 $0x1C00;
	s14 =	sadd.s32 @!p1 s14, s16;
	s16 =	simm.s32 @!p1 $0x40  }
0x26: {  	[tilespmem:s15], [sflag:$0x1] =	stream.strided.gather @!p1 [hbm4b:s14+s16], $0x2000, s17, s16, $0x38;
	[tilespmem:$0x8080] =	vst v63  }
0x27: {  	p1 =	sge.u32 s31, s5  }
.Ltmp2:
0x28: {  	_ = 	snop;
	(pc) =	sbr.rel @p1 .LBB1_5-.Ltmp2, $1  }
0x29: {  	_ =	sdelay $0x3  }
0x2a: {  	s14 =	simm.s32 $0x1  }
0x2b: {  	_ =	swait.ge [sflag:s4], $0x2000;
	s14 =	simm.s32 @!p0 $0x0  }
0x2c: {  	[sflag:s4] =	ssyncset.done $0x0;
	s15 =	sshll.u32 s14, $0xD  }
0x2d: {  	[sflag:s4] =	ssyncadd.s32 $0xFFFFE000;
	s18 =	sor.u32 $0x20, s15  }
0x2e: {  	s14 =	smul.u32 $0x8100, s14;
	v3 =	vld [tilespmem:s18+$0x10]  }
0x2f: {  	s30 =	sand.u32 $0x1, s11;
	v2 =	vld [tilespmem:s18+$0xFFFFFFF0]  }
0x30: {  	s15 =	smul.u32 $0x8100, s30;
	s14 =	sshrl.u32 s14, $0x2;
	v0 =	vld [tilespmem:s18+$0x0]  }
0x31: {  	v1 =	vld [tilespmem:s18+$0xFFFFFFE0];
	s16 =	sor.u32 $0x4000, s14  }
0x32: {  	s31 =	sshrl.u32 s15, $0x2;
	s15 =	sadd.s32 $0x0, s16  }
0x33: {  	s17 =	simm.s32 $0x4;
	s18 =	sadd.s32 $0x40, s18;
	s14 =	sor.u32 $0x4000, s31;
	[tilespmem:s15+$0x1830 ss:$0x81] =	vst.msk $0xffff, v3  }
.LBB1_3:
0x34: {  	v3 =	vld [tilespmem:s18+$0x10];
	p1 =	sne.s32 s17, $0x1FC;
	[tilespmem:s15+$0x810 ss:$0x81] =	vst.msk $0xffff, v2;
	s19 =	smov.u32 s17;
	s17 =	sadd.s32 $0x4, s17  }
.Ltmp3:
0x35: {  	v2 =	vld [tilespmem:s18+$0xFFFFFFF0];
	[tilespmem:s15+$0x1020 ss:$0x81] =	vst.msk $0xffff, v0;
	(pc) =	sbr.rel @p1 .LBB1_3-.Ltmp3, $4  }
0x36: {  	v0 =	vld [tilespmem:s18+$0x0];
	[tilespmem:s15+$0x0 ss:$0x81] =	vst.msk $0xffff, v1  }
0x37: {  	s15 =	sshra.s32 s19, $0x2;
	v1 =	vld [tilespmem:s18+$0xFFFFFFE0]  }
0x38: {  	s15 =	sadd.s32 s15, s16  }
0x39: {  	s18 =	sadd.s32 $0x40, s18;
	[tilespmem:s15+$0x1830 ss:$0x81] =	vst.msk $0xffff, v3  }
.Ltmp4:
0x3a: {  	_ = 	snop;
	(pc) =	sbr.rel .LBB1_4-.Ltmp4, $1  }
0x3b: {  	_ =	sdelay $0x3  }
.LBB1_6:
0x3c: {  	_ =	sfence.sel $0x180000  }
0x3d: {  	s2 =	simm.s32 $0x1;
	[bflag:$0x0] =	sbarrier.arrive $0xFFFF  }
0x3e: {  	s31 =	simm.s32 $0x2;
	[sflag:s2] =	ssyncpa.u1 $0x1  }
0x3f: {  	[sflag:s31] =	ssyncpa.u1 $0x1  }
0x40: {  	p0 =	sne.s32 s0, $0x0;
	_ =	strace $0x9000004A  }
0x41: {  	s0 =	sadd.s32 @!p0 $0x100000, s1;
	[bflag:$0x2] =	sbarrier.arrive $0xFFFF  }
0x42: {  	[sflag:s0] =	ssyncadd.tile.s32 @!p0 $0x1;
	_ =	shalt  }
.Lfunc_end1:
_tile_overlayer_lowered:
.L_overlay_start_2:
0x43: {  	(tag) =	ssettag $0x2  }
0x44: {  	s0 =	rddreg [dreg:$0x0];
	s2 =	stileid.u32  }
0x45: {  	s1 =	rddreg [dreg:$0x1];
	p0 =	sne.s32 s2, $0x0  }
0x46: {  	s3 =	rddreg [dreg:$0x2];
	[bflag:$0x3] =	sbarrier.arrive $0xFFFF;
	s2 =	simm.s32 @!p0 $0x1C01  }
0x47: {  	[timem:s3], [sflag:s2] =	dma.local @!p0 [hbm:s0], s1  }
0x48: {  	s0 =	simm.s32 @!p0 $0x1  }
0x49: {  	_ =	swait.ge @!p0 [sflag:s0], s1  }
0x4a: {  	s1 =	ssub.s32 @!p0 $0x0, s1;
	[sflag:s0] =	ssyncset.done @!p0 $0x0  }
0x4b: {  	[sflag:s0] =	ssyncadd.s32 @!p0 s1  }
0x4c: {  	[bflag:$0x3] =	sbarrier.arrive $0xFFFF  }
0x4d: {  	_ =	shalt  }

</sc_bundles>
